<compile_context>
chip_gen: v7x
topology: tpu7x:2x2x1
jax: 0.10.2.dev20260603
libtpu: 0.0.44.dev20260713+nightly
codegen_flags: <defaults>
</compile_context>

<pallas_src>
import functools

import jax
import jax.numpy as jnp
from jax import lax
from jax.experimental import pallas as pl
from jax.experimental.pallas import tpu as pltpu
from jax.experimental.pallas import tpu_sc as plsc

_BATCH, _SEQ, _EMBED = 4096, 200, 128
_TOTAL = _BATCH * _SEQ
_NC, _NS = 2, 16
_NW = _NC * _NS
_PER_W = _TOTAL // _NW
_CHUNK = 64
_NCHUNK = _PER_W // _CHUNK
_NBUF = 8
_LEAD = 5

assert _PER_W % _CHUNK == 0 and _NCHUNK % _NBUF == 0 and 2 <= _LEAD <= _NBUF - 2

_mesh = plsc.VectorSubcoreMesh(core_axis_name="c", subcore_axis_name="s")


@functools.partial(
    pl.kernel,
    mesh=_mesh,
    out_type=jax.ShapeDtypeStruct((_TOTAL, _EMBED), jnp.float32),
    scratch_types=[
        pltpu.VMEM((_NCHUNK, _CHUNK), jnp.int32),
        pltpu.VMEM((_NBUF, _CHUNK, _EMBED), jnp.float32),
    ] + [pltpu.SemaphoreType.DMA] * (2 * _NBUF),
)
def _gather_rows(table_hbm, idx_hbm, out_hbm, idx_v, rows_v, *sems):
    gsem = sems[:_NBUF]
    osem = sems[_NBUF:]
    c = lax.axis_index("c")
    s = lax.axis_index("s")
    wid = s * _NC + c
    base = wid * _PER_W
    pltpu.sync_copy(idx_hbm.at[wid], idx_v)

    def start_gather(k, b):
        pltpu.async_copy(table_hbm.at[idx_v.at[k]], rows_v.at[b], gsem[b])

    def wait_chunk(sem):
        pltpu.make_async_copy(rows_v.at[0],
                              out_hbm.at[pl.ds(0, _CHUNK)], sem).wait()

    for b in range(_LEAD):
        start_gather(b, b)

    def outer(i, carry):
        j0 = i * _NBUF
        for b in range(_NBUF):
            k = j0 + b
            wait_chunk(gsem[b])
            pltpu.async_copy(rows_v.at[b],
                             out_hbm.at[pl.ds(base + k * _CHUNK, _CHUNK)],
                             osem[b])
            kk = k + _LEAD
            bb = (b + _LEAD) % _NBUF

            @pl.when(jnp.logical_and(kk < _NCHUNK, kk >= _NBUF))
            def _():
                wait_chunk(osem[bb])

            @pl.when(kk < _NCHUNK)
            def _():
                start_gather(kk, bb)
        return carry

    lax.fori_loop(0, _NCHUNK // _NBUF, outer, 0)

    for b in range(_NBUF):
        wait_chunk(osem[b])


def kernel(x, table):
    idx = x.reshape(_NW, _NCHUNK, _CHUNK).astype(jnp.int32)
    out = _gather_rows(table, idx)
    return out.reshape(_BATCH, _SEQ, _EMBED)

# --- scband reference (transcript-rebuilt; emitter-appended) ---
"""Pipeline reference for scband-gene2-vec-embedding-88338887344369 (READ-ONLY COPY).

The authoritative reference and input builder live on the scoring server;
editing this copy changes nothing except your own understanding.
"""

import jax, jax.numpy as jnp
import numpy as np

VOCAB = 100000
EMBED_DIM = 128
BATCH = 4096
SEQ = 200

def setup_inputs(seed: int = 0) -> dict:
    key = jax.random.key(seed)
    k_idx, k_tab = jax.random.split(key)
    x = jax.random.randint(k_idx, (BATCH, SEQ), 0, VOCAB, dtype=jnp.int64 if jax.config.jax_enable_x64 else jnp.int32)
    # pretrained gene2vec weight table (frozen embedding), materialized as a param
    table = jax.random.normal(k_tab, (VOCAB, EMBED_DIM), dtype=jnp.float32)
    return {"x": x, "table": table}

def reference(x, table):
    # nn.Embedding.from_pretrained -> pure gather: table[x]
    return jnp.take(table, x, axis=0)

if __name__ == "__main__":
    import jax
    _d = setup_inputs()
    print(jax.jit(kernel)(*tuple(_d.values())))

</pallas_src>

<mosaic_0001>
#map = affine_map<(d0, d1) -> (0, 0)>
#map1 = affine_map<(d0, d1) -> (0, 0, 0)>
module attributes {stable_mosaic.version = 14 : i64} {
  func.func @_gather_rows(%arg0: i32, %arg1: i32, %arg2: memref<100000x128xf32, #tpu.memory_space<hbm>>, %arg3: memref<32x400x64xi32, #tpu.memory_space<hbm>>, %arg4: memref<819200x128xf32, #tpu.memory_space<hbm>>, %arg5: memref<400x64xi32, #tpu.memory_space<vmem>>, %arg6: memref<8x64x128xf32, #tpu.memory_space<vmem>>, %arg7: memref<!tpu.dma_semaphore, #tpu.memory_space<semaphore_mem>>, %arg8: memref<!tpu.dma_semaphore, #tpu.memory_space<semaphore_mem>>, %arg9: memref<!tpu.dma_semaphore, #tpu.memory_space<semaphore_mem>>, %arg10: memref<!tpu.dma_semaphore, #tpu.memory_space<semaphore_mem>>, %arg11: memref<!tpu.dma_semaphore, #tpu.memory_space<semaphore_mem>>, %arg12: memref<!tpu.dma_semaphore, #tpu.memory_space<semaphore_mem>>, %arg13: memref<!tpu.dma_semaphore, #tpu.memory_space<semaphore_mem>>, %arg14: memref<!tpu.dma_semaphore, #tpu.memory_space<semaphore_mem>>, %arg15: memref<!tpu.dma_semaphore, #tpu.memory_space<semaphore_mem>>, %arg16: memref<!tpu.dma_semaphore, #tpu.memory_space<semaphore_mem>>, %arg17: memref<!tpu.dma_semaphore, #tpu.memory_space<semaphore_mem>>, %arg18: memref<!tpu.dma_semaphore, #tpu.memory_space<semaphore_mem>>, %arg19: memref<!tpu.dma_semaphore, #tpu.memory_space<semaphore_mem>>, %arg20: memref<!tpu.dma_semaphore, #tpu.memory_space<semaphore_mem>>, %arg21: memref<!tpu.dma_semaphore, #tpu.memory_space<semaphore_mem>>, %arg22: memref<!tpu.dma_semaphore, #tpu.memory_space<semaphore_mem>>) attributes {dimension_semantics = [#tpu.dimension_semantics<core_parallel>, #tpu.dimension_semantics<subcore_parallel>], iteration_bounds = array<i64: 2, 16>, scalar_prefetch = 0 : i64, scratch_operands = 18 : i64, tpu.core_type = #tpu.core_type<sc_vector_subcore>, window_params = [{transform_indices = #map}, {transform_indices = #map1}, {transform_indices = #map}]} {
    %mul3A = arith.constant 2 : i32
    %mul3A_0 = arith.muli %arg1, %mul3A : i32
    %add3A = arith.addi %mul3A_0, %arg0 : i32
    %mul3A_1 = arith.constant 25600 : i32
    %mul3A_2 = arith.muli %add3A, %mul3A_1 : i32
    "tpu.region"() ({
      %run_scoped3A = tpu.sem_alloc : memref<!tpu.dma_semaphore, #tpu.memory_space<semaphore_mem>>
      %dma_start3A_186 = arith.constant 0 : i32
      %dma_start3A_187 = arith.constant 0 : i32
      %dma_start3A_188 = tpu.memref_slice %arg3[%add3A, %dma_start3A_186, %dma_start3A_187] : memref<32x400x64xi32, #tpu.memory_space<hbm>> -> memref<1x400x64xi32, #tpu.memory_space<hbm>>
      %dma_start3A_189 = tpu.memref_squeeze %dma_start3A_188 : memref<1x400x64xi32, #tpu.memory_space<hbm>> -> memref<400x64xi32, #tpu.memory_space<hbm>>
      %dma_start3A_190 = arith.constant 0 : i32
      %dma_start3A_191 = arith.constant 0 : i32
      %dma_start3A_192 = tpu.memref_slice %arg3[%add3A, %dma_start3A_190, %dma_start3A_191] : memref<32x400x64xi32, #tpu.memory_space<hbm>> -> memref<1x400x64xi32, #tpu.memory_space<hbm>>
      %dma_start3A_193 = tpu.memref_squeeze %dma_start3A_192 : memref<1x400x64xi32, #tpu.memory_space<hbm>> -> memref<400x64xi32, #tpu.memory_space<hbm>>
      tpu.enqueue_dma source(%dma_start3A_193 : memref<400x64xi32, #tpu.memory_space<hbm>>) target(%arg5 : memref<400x64xi32, #tpu.memory_space<vmem>>) target_semaphore(%run_scoped3A : memref<!tpu.dma_semaphore, #tpu.memory_space<semaphore_mem>>)
      %dma_wait3A_194 = arith.constant 0 : i32
      %dma_wait3A_195 = arith.constant 0 : i32
      %dma_wait3A_196 = tpu.memref_slice %arg3[%add3A, %dma_wait3A_194, %dma_wait3A_195] : memref<32x400x64xi32, #tpu.memory_space<hbm>> -> memref<1x400x64xi32, #tpu.memory_space<hbm>>
      %dma_wait3A_197 = tpu.memref_squeeze %dma_wait3A_196 : memref<1x400x64xi32, #tpu.memory_space<hbm>> -> memref<400x64xi32, #tpu.memory_space<hbm>>
      %dma_wait3A_198 = arith.constant 0 : i32
      %dma_wait3A_199 = arith.constant 0 : i32
      %dma_wait3A_200 = tpu.memref_slice %arg3[%add3A, %dma_wait3A_198, %dma_wait3A_199] : memref<32x400x64xi32, #tpu.memory_space<hbm>> -> memref<1x400x64xi32, #tpu.memory_space<hbm>>
      %dma_wait3A_201 = tpu.memref_squeeze %dma_wait3A_200 : memref<1x400x64xi32, #tpu.memory_space<hbm>> -> memref<400x64xi32, #tpu.memory_space<hbm>>
      tpu.wait_dma2 semaphore(%run_scoped3A : memref<!tpu.dma_semaphore, #tpu.memory_space<semaphore_mem>>) src(%dma_wait3A_201 : memref<400x64xi32, #tpu.memory_space<hbm>>) dst(%arg5 : memref<400x64xi32, #tpu.memory_space<vmem>>)
      tpu.yield
    }) : () -> ()
    %dma_start3A = arith.constant 0 : i32
    %dma_start3A_3 = arith.constant 0 : i32
    %dma_start3A_4 = arith.constant 0 : i32
    %dma_start3A_5 = arith.constant 0 : i32
    %dma_start3A_6 = tpu.memref_slice %arg6[%dma_start3A_3, %dma_start3A_4, %dma_start3A_5] : memref<8x64x128xf32, #tpu.memory_space<vmem>> -> memref<1x64x128xf32, #tpu.memory_space<vmem>>
    %dma_start3A_7 = tpu.memref_squeeze %dma_start3A_6 : memref<1x64x128xf32, #tpu.memory_space<vmem>> -> memref<64x128xf32, #tpu.memory_space<vmem>>
    %dma_start3A_8 = arith.constant 0 : i32
    %dma_start3A_9 = tpu.memref_slice %arg5[%dma_start3A, %dma_start3A_8] : memref<400x64xi32, #tpu.memory_space<vmem>> -> memref<1x64xi32, #tpu.memory_space<vmem>>
    %dma_start3A_10 = tpu.memref_squeeze %dma_start3A_9 : memref<1x64xi32, #tpu.memory_space<vmem>> -> memref<64xi32, #tpu.memory_space<vmem>>
    %dma_start3A_11 = arith.constant 0 : i32
    %dma_start3A_12 = arith.constant 0 : i32
    %dma_start3A_13 = tpu.memref_slice %arg2[%dma_start3A_11, %dma_start3A_12] : memref<100000x128xf32, #tpu.memory_space<hbm>> -> memref<100000x128xf32, #tpu.memory_space<hbm>>
    tpu.enqueue_indirect_dma source(%dma_start3A_13 : memref<100000x128xf32, #tpu.memory_space<hbm>>) target(%dma_start3A_7 : memref<64x128xf32, #tpu.memory_space<vmem>>) offsets(%dma_start3A_10 : memref<64xi32, #tpu.memory_space<vmem>>) semaphore(%arg7 : memref<!tpu.dma_semaphore, #tpu.memory_space<semaphore_mem>>)
    %dma_start3A_14 = arith.constant 1 : i32
    %dma_start3A_15 = arith.constant 1 : i32
    %dma_start3A_16 = arith.constant 0 : i32
    %dma_start3A_17 = arith.constant 0 : i32
    %dma_start3A_18 = tpu.memref_slice %arg6[%dma_start3A_15, %dma_start3A_16, %dma_start3A_17] : memref<8x64x128xf32, #tpu.memory_space<vmem>> -> memref<1x64x128xf32, #tpu.memory_space<vmem>>
    %dma_start3A_19 = tpu.memref_squeeze %dma_start3A_18 : memref<1x64x128xf32, #tpu.memory_space<vmem>> -> memref<64x128xf32, #tpu.memory_space<vmem>>
    %dma_start3A_20 = arith.constant 0 : i32
    %dma_start3A_21 = tpu.memref_slice %arg5[%dma_start3A_14, %dma_start3A_20] : memref<400x64xi32, #tpu.memory_space<vmem>> -> memref<1x64xi32, #tpu.memory_space<vmem>>
    %dma_start3A_22 = tpu.memref_squeeze %dma_start3A_21 : memref<1x64xi32, #tpu.memory_space<vmem>> -> memref<64xi32, #tpu.memory_space<vmem>>
    %dma_start3A_23 = arith.constant 0 : i32
    %dma_start3A_24 = arith.constant 0 : i32
    %dma_start3A_25 = tpu.memref_slice %arg2[%dma_start3A_23, %dma_start3A_24] : memref<100000x128xf32, #tpu.memory_space<hbm>> -> memref<100000x128xf32, #tpu.memory_space<hbm>>
    tpu.enqueue_indirect_dma source(%dma_start3A_25 : memref<100000x128xf32, #tpu.memory_space<hbm>>) target(%dma_start3A_19 : memref<64x128xf32, #tpu.memory_space<vmem>>) offsets(%dma_start3A_22 : memref<64xi32, #tpu.memory_space<vmem>>) semaphore(%arg8 : memref<!tpu.dma_semaphore, #tpu.memory_space<semaphore_mem>>)
    %dma_start3A_26 = arith.constant 2 : i32
    %dma_start3A_27 = arith.constant 2 : i32
    %dma_start3A_28 = arith.constant 0 : i32
    %dma_start3A_29 = arith.constant 0 : i32
    %dma_start3A_30 = tpu.memref_slice %arg6[%dma_start3A_27, %dma_start3A_28, %dma_start3A_29] : memref<8x64x128xf32, #tpu.memory_space<vmem>> -> memref<1x64x128xf32, #tpu.memory_space<vmem>>
    %dma_start3A_31 = tpu.memref_squeeze %dma_start3A_30 : memref<1x64x128xf32, #tpu.memory_space<vmem>> -> memref<64x128xf32, #tpu.memory_space<vmem>>
    %dma_start3A_32 = arith.constant 0 : i32
    %dma_start3A_33 = tpu.memref_slice %arg5[%dma_start3A_26, %dma_start3A_32] : memref<400x64xi32, #tpu.memory_space<vmem>> -> memref<1x64xi32, #tpu.memory_space<vmem>>
    %dma_start3A_34 = tpu.memref_squeeze %dma_start3A_33 : memref<1x64xi32, #tpu.memory_space<vmem>> -> memref<64xi32, #tpu.memory_space<vmem>>
    %dma_start3A_35 = arith.constant 0 : i32
    %dma_start3A_36 = arith.constant 0 : i32
    %dma_start3A_37 = tpu.memref_slice %arg2[%dma_start3A_35, %dma_start3A_36] : memref<100000x128xf32, #tpu.memory_space<hbm>> -> memref<100000x128xf32, #tpu.memory_space<hbm>>
    tpu.enqueue_indirect_dma source(%dma_start3A_37 : memref<100000x128xf32, #tpu.memory_space<hbm>>) target(%dma_start3A_31 : memref<64x128xf32, #tpu.memory_space<vmem>>) offsets(%dma_start3A_34 : memref<64xi32, #tpu.memory_space<vmem>>) semaphore(%arg9 : memref<!tpu.dma_semaphore, #tpu.memory_space<semaphore_mem>>)
    %dma_start3A_38 = arith.constant 3 : i32
    %dma_start3A_39 = arith.constant 3 : i32
    %dma_start3A_40 = arith.constant 0 : i32
    %dma_start3A_41 = arith.constant 0 : i32
    %dma_start3A_42 = tpu.memref_slice %arg6[%dma_start3A_39, %dma_start3A_40, %dma_start3A_41] : memref<8x64x128xf32, #tpu.memory_space<vmem>> -> memref<1x64x128xf32, #tpu.memory_space<vmem>>
    %dma_start3A_43 = tpu.memref_squeeze %dma_start3A_42 : memref<1x64x128xf32, #tpu.memory_space<vmem>> -> memref<64x128xf32, #tpu.memory_space<vmem>>
    %dma_start3A_44 = arith.constant 0 : i32
    %dma_start3A_45 = tpu.memref_slice %arg5[%dma_start3A_38, %dma_start3A_44] : memref<400x64xi32, #tpu.memory_space<vmem>> -> memref<1x64xi32, #tpu.memory_space<vmem>>
    %dma_start3A_46 = tpu.memref_squeeze %dma_start3A_45 : memref<1x64xi32, #tpu.memory_space<vmem>> -> memref<64xi32, #tpu.memory_space<vmem>>
    %dma_start3A_47 = arith.constant 0 : i32
    %dma_start3A_48 = arith.constant 0 : i32
    %dma_start3A_49 = tpu.memref_slice %arg2[%dma_start3A_47, %dma_start3A_48] : memref<100000x128xf32, #tpu.memory_space<hbm>> -> memref<100000x128xf32, #tpu.memory_space<hbm>>
    tpu.enqueue_indirect_dma source(%dma_start3A_49 : memref<100000x128xf32, #tpu.memory_space<hbm>>) target(%dma_start3A_43 : memref<64x128xf32, #tpu.memory_space<vmem>>) offsets(%dma_start3A_46 : memref<64xi32, #tpu.memory_space<vmem>>) semaphore(%arg10 : memref<!tpu.dma_semaphore, #tpu.memory_space<semaphore_mem>>)
    %dma_start3A_50 = arith.constant 4 : i32
    %dma_start3A_51 = arith.constant 4 : i32
    %dma_start3A_52 = arith.constant 0 : i32
    %dma_start3A_53 = arith.constant 0 : i32
    %dma_start3A_54 = tpu.memref_slice %arg6[%dma_start3A_51, %dma_start3A_52, %dma_start3A_53] : memref<8x64x128xf32, #tpu.memory_space<vmem>> -> memref<1x64x128xf32, #tpu.memory_space<vmem>>
    %dma_start3A_55 = tpu.memref_squeeze %dma_start3A_54 : memref<1x64x128xf32, #tpu.memory_space<vmem>> -> memref<64x128xf32, #tpu.memory_space<vmem>>
    %dma_start3A_56 = arith.constant 0 : i32
    %dma_start3A_57 = tpu.memref_slice %arg5[%dma_start3A_50, %dma_start3A_56] : memref<400x64xi32, #tpu.memory_space<vmem>> -> memref<1x64xi32, #tpu.memory_space<vmem>>
    %dma_start3A_58 = tpu.memref_squeeze %dma_start3A_57 : memref<1x64xi32, #tpu.memory_space<vmem>> -> memref<64xi32, #tpu.memory_space<vmem>>
    %dma_start3A_59 = arith.constant 0 : i32
    %dma_start3A_60 = arith.constant 0 : i32
    %dma_start3A_61 = tpu.memref_slice %arg2[%dma_start3A_59, %dma_start3A_60] : memref<100000x128xf32, #tpu.memory_space<hbm>> -> memref<100000x128xf32, #tpu.memory_space<hbm>>
    tpu.enqueue_indirect_dma source(%dma_start3A_61 : memref<100000x128xf32, #tpu.memory_space<hbm>>) target(%dma_start3A_55 : memref<64x128xf32, #tpu.memory_space<vmem>>) offsets(%dma_start3A_58 : memref<64xi32, #tpu.memory_space<vmem>>) semaphore(%arg11 : memref<!tpu.dma_semaphore, #tpu.memory_space<semaphore_mem>>)
    %scan3A = arith.constant 0 : i32
    %scan3A_62 = arith.constant 0 : i32
    %scan3A_63 = arith.constant 50 : i32
    %scan3A_64 = arith.addi %scan3A_62, %scan3A_63 : i32
    %scan3A_65 = arith.constant 1 : i32
    scf.for %scan3A_186 = %scan3A_62 to %scan3A_64 step %scan3A_65  : i32 {
      %mul3A_187 = arith.constant 8 : i32
      %mul3A_188 = arith.muli %scan3A_186, %mul3A_187 : i32
      %add3A_189 = arith.constant 0 : i32
      %add3A_190 = arith.addi %mul3A_188, %add3A_189 : i32
      %dma_wait3A_191 = arith.constant 0 : i32
      %dma_wait3A_192 = arith.constant 0 : i32
      %dma_wait3A_193 = arith.constant 0 : i32
      %dma_wait3A_194 = tpu.memref_slice %arg6[%dma_wait3A_191, %dma_wait3A_192, %dma_wait3A_193] : memref<8x64x128xf32, #tpu.memory_space<vmem>> -> memref<1x64x128xf32, #tpu.memory_space<vmem>>
      %dma_wait3A_195 = tpu.memref_squeeze %dma_wait3A_194 : memref<1x64x128xf32, #tpu.memory_space<vmem>> -> memref<64x128xf32, #tpu.memory_space<vmem>>
      %dma_wait3A_196 = arith.constant 0 : i32
      %dma_wait3A_197 = arith.constant 0 : i32
      %dma_wait3A_198 = tpu.memref_slice %arg4[%dma_wait3A_196, %dma_wait3A_197] : memref<819200x128xf32, #tpu.memory_space<hbm>> -> memref<64x128xf32, #tpu.memory_space<hbm>>
      %dma_wait3A_199 = arith.constant 0 : i32
      %dma_wait3A_200 = arith.constant 0 : i32
      %dma_wait3A_201 = tpu.memref_slice %arg4[%dma_wait3A_199, %dma_wait3A_200] : memref<819200x128xf32, #tpu.memory_space<hbm>> -> memref<64x128xf32, #tpu.memory_space<hbm>>
      %dma_wait3A_202 = arith.constant 0 : i32
      %dma_wait3A_203 = arith.constant 0 : i32
      %dma_wait3A_204 = tpu.memref_slice %arg6[%dma_wait3A_191, %dma_wait3A_202, %dma_wait3A_203] : memref<8x64x128xf32, #tpu.memory_space<vmem>> -> memref<1x64x128xf32, #tpu.memory_space<vmem>>
      %dma_wait3A_205 = tpu.memref_squeeze %dma_wait3A_204 : memref<1x64x128xf32, #tpu.memory_space<vmem>> -> memref<64x128xf32, #tpu.memory_space<vmem>>
      tpu.wait_dma2 semaphore(%arg7 : memref<!tpu.dma_semaphore, #tpu.memory_space<semaphore_mem>>) src(%dma_wait3A_205 : memref<64x128xf32, #tpu.memory_space<vmem>>) dst(%dma_wait3A_201 : memref<64x128xf32, #tpu.memory_space<hbm>>)
      %mul3A_206 = arith.constant 64 : i32
      %mul3A_207 = arith.muli %add3A_190, %mul3A_206 : i32
      %add3A_208 = arith.addi %mul3A_2, %mul3A_207 : i32
      %dma_start3A_209 = arith.constant 0 : i32
      %dma_start3A_210 = arith.constant 0 : i32
      %dma_start3A_211 = arith.constant 0 : i32
      %dma_start3A_212 = tpu.memref_slice %arg6[%dma_start3A_209, %dma_start3A_210, %dma_start3A_211] : memref<8x64x128xf32, #tpu.memory_space<vmem>> -> memref<1x64x128xf32, #tpu.memory_space<vmem>>
      %dma_start3A_213 = tpu.memref_squeeze %dma_start3A_212 : memref<1x64x128xf32, #tpu.memory_space<vmem>> -> memref<64x128xf32, #tpu.memory_space<vmem>>
      %dma_start3A_214 = arith.constant 0 : i32
      %dma_start3A_215 = tpu.memref_slice %arg4[%add3A_208, %dma_start3A_214] : memref<819200x128xf32, #tpu.memory_space<hbm>> -> memref<64x128xf32, #tpu.memory_space<hbm>>
      %dma_start3A_216 = arith.constant 0 : i32
      %dma_start3A_217 = tpu.memref_slice %arg4[%add3A_208, %dma_start3A_216] : memref<819200x128xf32, #tpu.memory_space<hbm>> -> memref<64x128xf32, #tpu.memory_space<hbm>>
      %dma_start3A_218 = arith.constant 0 : i32
      %dma_start3A_219 = arith.constant 0 : i32
      %dma_start3A_220 = tpu.memref_slice %arg6[%dma_start3A_209, %dma_start3A_218, %dma_start3A_219] : memref<8x64x128xf32, #tpu.memory_space<vmem>> -> memref<1x64x128xf32, #tpu.memory_space<vmem>>
      %dma_start3A_221 = tpu.memref_squeeze %dma_start3A_220 : memref<1x64x128xf32, #tpu.memory_space<vmem>> -> memref<64x128xf32, #tpu.memory_space<vmem>>
      tpu.enqueue_dma source(%dma_start3A_221 : memref<64x128xf32, #tpu.memory_space<vmem>>) target(%dma_start3A_217 : memref<64x128xf32, #tpu.memory_space<hbm>>) target_semaphore(%arg15 : memref<!tpu.dma_semaphore, #tpu.memory_space<semaphore_mem>>)
      %add3A_222 = arith.constant 5 : i32
      %add3A_223 = arith.addi %add3A_190, %add3A_222 : i32
      %lt3A = arith.constant 400 : i32
      %lt3A_224 = arith.cmpi slt, %add3A_223, %lt3A : i32
      %ge3A = arith.constant 8 : i32
      %ge3A_225 = arith.cmpi sge, %add3A_223, %ge3A : i32
      %and3A = arith.andi %lt3A_224, %ge3A_225 : i1
      %convert_element_type3A = arith.extui %and3A : i1 to i32
      %cond3A = arith.constant 0 : i32
      %cond3A_226 = arith.cmpi ne, %convert_element_type3A, %cond3A : i32
      scf.if %cond3A_226 {
        %dma_wait3A_568 = arith.constant 0 : i32
        %dma_wait3A_569 = arith.constant 0 : i32
        %dma_wait3A_570 = arith.constant 0 : i32
        %dma_wait3A_571 = tpu.memref_slice %arg6[%dma_wait3A_568, %dma_wait3A_569, %dma_wait3A_570] : memref<8x64x128xf32, #tpu.memory_space<vmem>> -> memref<1x64x128xf32, #tpu.memory_space<vmem>>
        %dma_wait3A_572 = tpu.memref_squeeze %dma_wait3A_571 : memref<1x64x128xf32, #tpu.memory_space<vmem>> -> memref<64x128xf32, #tpu.memory_space<vmem>>
        %dma_wait3A_573 = arith.constant 0 : i32
        %dma_wait3A_574 = arith.constant 0 : i32
        %dma_wait3A_575 = tpu.memref_slice %arg4[%dma_wait3A_573, %dma_wait3A_574] : memref<819200x128xf32, #tpu.memory_space<hbm>> -> memref<64x128xf32, #tpu.memory_space<hbm>>
        %dma_wait3A_576 = arith.constant 0 : i32
        %dma_wait3A_577 = arith.constant 0 : i32
        %dma_wait3A_578 = tpu.memref_slice %arg4[%dma_wait3A_576, %dma_wait3A_577] : memref<819200x128xf32, #tpu.memory_space<hbm>> -> memref<64x128xf32, #tpu.memory_space<hbm>>
        %dma_wait3A_579 = arith.constant 0 : i32
        %dma_wait3A_580 = arith.constant 0 : i32
        %dma_wait3A_581 = tpu.memref_slice %arg6[%dma_wait3A_568, %dma_wait3A_579, %dma_wait3A_580] : memref<8x64x128xf32, #tpu.memory_space<vmem>> -> memref<1x64x128xf32, #tpu.memory_space<vmem>>
        %dma_wait3A_582 = tpu.memref_squeeze %dma_wait3A_581 : memref<1x64x128xf32, #tpu.memory_space<vmem>> -> memref<64x128xf32, #tpu.memory_space<vmem>>
        tpu.wait_dma2 semaphore(%arg20 : memref<!tpu.dma_semaphore, #tpu.memory_space<semaphore_mem>>) src(%dma_wait3A_582 : memref<64x128xf32, #tpu.memory_space<vmem>>) dst(%dma_wait3A_578 : memref<64x128xf32, #tpu.memory_space<hbm>>)
      } else {
      }
      %lt3A_227 = arith.constant 400 : i32
      %lt3A_228 = arith.cmpi slt, %add3A_223, %lt3A_227 : i32
      %convert_element_type3A_229 = arith.extui %lt3A_228 : i1 to i32
      %cond3A_230 = arith.constant 0 : i32
      %cond3A_231 = arith.cmpi ne, %convert_element_type3A_229, %cond3A_230 : i32
      scf.if %cond3A_231 {
        %dma_start3A_568 = arith.constant 5 : i32
        %dma_start3A_569 = arith.constant 0 : i32
        %dma_start3A_570 = arith.constant 0 : i32
        %dma_start3A_571 = tpu.memref_slice %arg6[%dma_start3A_568, %dma_start3A_569, %dma_start3A_570] : memref<8x64x128xf32, #tpu.memory_space<vmem>> -> memref<1x64x128xf32, #tpu.memory_space<vmem>>
        %dma_start3A_572 = tpu.memref_squeeze %dma_start3A_571 : memref<1x64x128xf32, #tpu.memory_space<vmem>> -> memref<64x128xf32, #tpu.memory_space<vmem>>
        %dma_start3A_573 = arith.constant 0 : i32
        %dma_start3A_574 = tpu.memref_slice %arg5[%add3A_223, %dma_start3A_573] : memref<400x64xi32, #tpu.memory_space<vmem>> -> memref<1x64xi32, #tpu.memory_space<vmem>>
        %dma_start3A_575 = tpu.memref_squeeze %dma_start3A_574 : memref<1x64xi32, #tpu.memory_space<vmem>> -> memref<64xi32, #tpu.memory_space<vmem>>
        %dma_start3A_576 = arith.constant 0 : i32
        %dma_start3A_577 = arith.constant 0 : i32
        %dma_start3A_578 = tpu.memref_slice %arg2[%dma_start3A_576, %dma_start3A_577] : memref<100000x128xf32, #tpu.memory_space<hbm>> -> memref<100000x128xf32, #tpu.memory_space<hbm>>
        tpu.enqueue_indirect_dma source(%dma_start3A_578 : memref<100000x128xf32, #tpu.memory_space<hbm>>) target(%dma_start3A_572 : memref<64x128xf32, #tpu.memory_space<vmem>>) offsets(%dma_start3A_575 : memref<64xi32, #tpu.memory_space<vmem>>) semaphore(%arg12 : memref<!tpu.dma_semaphore, #tpu.memory_space<semaphore_mem>>)
      } else {
      }
      %add3A_232 = arith.constant 1 : i32
      %add3A_233 = arith.addi %mul3A_188, %add3A_232 : i32
      %dma_wait3A_234 = arith.constant 0 : i32
      %dma_wait3A_235 = arith.constant 0 : i32
      %dma_wait3A_236 = arith.constant 0 : i32
      %dma_wait3A_237 = tpu.memref_slice %arg6[%dma_wait3A_234, %dma_wait3A_235, %dma_wait3A_236] : memref<8x64x128xf32, #tpu.memory_space<vmem>> -> memref<1x64x128xf32, #tpu.memory_space<vmem>>
      %dma_wait3A_238 = tpu.memref_squeeze %dma_wait3A_237 : memref<1x64x128xf32, #tpu.memory_space<vmem>> -> memref<64x128xf32, #tpu.memory_space<vmem>>
      %dma_wait3A_239 = arith.constant 0 : i32
      %dma_wait3A_240 = arith.constant 0 : i32
      %dma_wait3A_241 = tpu.memref_slice %arg4[%dma_wait3A_239, %dma_wait3A_240] : memref<819200x128xf32, #tpu.memory_space<hbm>> -> memref<64x128xf32, #tpu.memory_space<hbm>>
      %dma_wait3A_242 = arith.constant 0 : i32
      %dma_wait3A_243 = arith.constant 0 : i32
      %dma_wait3A_244 = tpu.memref_slice %arg4[%dma_wait3A_242, %dma_wait3A_243] : memref<819200x128xf32, #tpu.memory_space<hbm>> -> memref<64x128xf32, #tpu.memory_space<hbm>>
      %dma_wait3A_245 = arith.constant 0 : i32
      %dma_wait3A_246 = arith.constant 0 : i32
      %dma_wait3A_247 = tpu.memref_slice %arg6[%dma_wait3A_234, %dma_wait3A_245, %dma_wait3A_246] : memref<8x64x128xf32, #tpu.memory_space<vmem>> -> memref<1x64x128xf32, #tpu.memory_space<vmem>>
      %dma_wait3A_248 = tpu.memref_squeeze %dma_wait3A_247 : memref<1x64x128xf32, #tpu.memory_space<vmem>> -> memref<64x128xf32, #tpu.memory_space<vmem>>
      tpu.wait_dma2 semaphore(%arg8 : memref<!tpu.dma_semaphore, #tpu.memory_space<semaphore_mem>>) src(%dma_wait3A_248 : memref<64x128xf32, #tpu.memory_space<vmem>>) dst(%dma_wait3A_244 : memref<64x128xf32, #tpu.memory_space<hbm>>)
      %mul3A_249 = arith.constant 64 : i32
      %mul3A_250 = arith.muli %add3A_233, %mul3A_249 : i32
      %add3A_251 = arith.addi %mul3A_2, %mul3A_250 : i32
      %dma_start3A_252 = arith.constant 1 : i32
      %dma_start3A_253 = arith.constant 0 : i32
      %dma_start3A_254 = arith.constant 0 : i32
      %dma_start3A_255 = tpu.memref_slice %arg6[%dma_start3A_252, %dma_start3A_253, %dma_start3A_254] : memref<8x64x128xf32, #tpu.memory_space<vmem>> -> memref<1x64x128xf32, #tpu.memory_space<vmem>>
      %dma_start3A_256 = tpu.memref_squeeze %dma_start3A_255 : memref<1x64x128xf32, #tpu.memory_space<vmem>> -> memref<64x128xf32, #tpu.memory_space<vmem>>
      %dma_start3A_257 = arith.constant 0 : i32
      %dma_start3A_258 = tpu.memref_slice %arg4[%add3A_251, %dma_start3A_257] : memref<819200x128xf32, #tpu.memory_space<hbm>> -> memref<64x128xf32, #tpu.memory_space<hbm>>
      %dma_start3A_259 = arith.constant 0 : i32
      %dma_start3A_260 = tpu.memref_slice %arg4[%add3A_251, %dma_start3A_259] : memref<819200x128xf32, #tpu.memory_space<hbm>> -> memref<64x128xf32, #tpu.memory_space<hbm>>
      %dma_start3A_261 = arith.constant 0 : i32
      %dma_start3A_262 = arith.constant 0 : i32
      %dma_start3A_263 = tpu.memref_slice %arg6[%dma_start3A_252, %dma_start3A_261, %dma_start3A_262] : memref<8x64x128xf32, #tpu.memory_space<vmem>> -> memref<1x64x128xf32, #tpu.memory_space<vmem>>
      %dma_start3A_264 = tpu.memref_squeeze %dma_start3A_263 : memref<1x64x128xf32, #tpu.memory_space<vmem>> -> memref<64x128xf32, #tpu.memory_space<vmem>>
      tpu.enqueue_dma source(%dma_start3A_264 : memref<64x128xf32, #tpu.memory_space<vmem>>) target(%dma_start3A_260 : memref<64x128xf32, #tpu.memory_space<hbm>>) target_semaphore(%arg16 : memref<!tpu.dma_semaphore, #tpu.memory_space<semaphore_mem>>)
      %add3A_265 = arith.constant 5 : i32
      %add3A_266 = arith.addi %add3A_233, %add3A_265 : i32
      %lt3A_267 = arith.constant 400 : i32
      %lt3A_268 = arith.cmpi slt, %add3A_266, %lt3A_267 : i32
      %ge3A_269 = arith.constant 8 : i32
      %ge3A_270 = arith.cmpi sge, %add3A_266, %ge3A_269 : i32
      %and3A_271 = arith.andi %lt3A_268, %ge3A_270 : i1
      %convert_element_type3A_272 = arith.extui %and3A_271 : i1 to i32
      %cond3A_273 = arith.constant 0 : i32
      %cond3A_274 = arith.cmpi ne, %convert_element_type3A_272, %cond3A_273 : i32
      scf.if %cond3A_274 {
        %dma_wait3A_568 = arith.constant 0 : i32
        %dma_wait3A_569 = arith.constant 0 : i32
        %dma_wait3A_570 = arith.constant 0 : i32
        %dma_wait3A_571 = tpu.memref_slice %arg6[%dma_wait3A_568, %dma_wait3A_569, %dma_wait3A_570] : memref<8x64x128xf32, #tpu.memory_space<vmem>> -> memref<1x64x128xf32, #tpu.memory_space<vmem>>
        %dma_wait3A_572 = tpu.memref_squeeze %dma_wait3A_571 : memref<1x64x128xf32, #tpu.memory_space<vmem>> -> memref<64x128xf32, #tpu.memory_space<vmem>>
        %dma_wait3A_573 = arith.constant 0 : i32
        %dma_wait3A_574 = arith.constant 0 : i32
        %dma_wait3A_575 = tpu.memref_slice %arg4[%dma_wait3A_573, %dma_wait3A_574] : memref<819200x128xf32, #tpu.memory_space<hbm>> -> memref<64x128xf32, #tpu.memory_space<hbm>>
        %dma_wait3A_576 = arith.constant 0 : i32
        %dma_wait3A_577 = arith.constant 0 : i32
        %dma_wait3A_578 = tpu.memref_slice %arg4[%dma_wait3A_576, %dma_wait3A_577] : memref<819200x128xf32, #tpu.memory_space<hbm>> -> memref<64x128xf32, #tpu.memory_space<hbm>>
        %dma_wait3A_579 = arith.constant 0 : i32
        %dma_wait3A_580 = arith.constant 0 : i32
        %dma_wait3A_581 = tpu.memref_slice %arg6[%dma_wait3A_568, %dma_wait3A_579, %dma_wait3A_580] : memref<8x64x128xf32, #tpu.memory_space<vmem>> -> memref<1x64x128xf32, #tpu.memory_space<vmem>>
        %dma_wait3A_582 = tpu.memref_squeeze %dma_wait3A_581 : memref<1x64x128xf32, #tpu.memory_space<vmem>> -> memref<64x128xf32, #tpu.memory_space<vmem>>
        tpu.wait_dma2 semaphore(%arg21 : memref<!tpu.dma_semaphore, #tpu.memory_space<semaphore_mem>>) src(%dma_wait3A_582 : memref<64x128xf32, #tpu.memory_space<vmem>>) dst(%dma_wait3A_578 : memref<64x128xf32, #tpu.memory_space<hbm>>)
      } else {
      }
      %lt3A_275 = arith.constant 400 : i32
      %lt3A_276 = arith.cmpi slt, %add3A_266, %lt3A_275 : i32
      %convert_element_type3A_277 = arith.extui %lt3A_276 : i1 to i32
      %cond3A_278 = arith.constant 0 : i32
      %cond3A_279 = arith.cmpi ne, %convert_element_type3A_277, %cond3A_278 : i32
      scf.if %cond3A_279 {
        %dma_start3A_568 = arith.constant 6 : i32
        %dma_start3A_569 = arith.constant 0 : i32
        %dma_start3A_570 = arith.constant 0 : i32
        %dma_start3A_571 = tpu.memref_slice %arg6[%dma_start3A_568, %dma_start3A_569, %dma_start3A_570] : memref<8x64x128xf32, #tpu.memory_space<vmem>> -> memref<1x64x128xf32, #tpu.memory_space<vmem>>
        %dma_start3A_572 = tpu.memref_squeeze %dma_start3A_571 : memref<1x64x128xf32, #tpu.memory_space<vmem>> -> memref<64x128xf32, #tpu.memory_space<vmem>>
        %dma_start3A_573 = arith.constant 0 : i32
        %dma_start3A_574 = tpu.memref_slice %arg5[%add3A_266, %dma_start3A_573] : memref<400x64xi32, #tpu.memory_space<vmem>> -> memref<1x64xi32, #tpu.memory_space<vmem>>
        %dma_start3A_575 = tpu.memref_squeeze %dma_start3A_574 : memref<1x64xi32, #tpu.memory_space<vmem>> -> memref<64xi32, #tpu.memory_space<vmem>>
        %dma_start3A_576 = arith.constant 0 : i32
        %dma_start3A_577 = arith.constant 0 : i32
        %dma_start3A_578 = tpu.memref_slice %arg2[%dma_start3A_576, %dma_start3A_577] : memref<100000x128xf32, #tpu.memory_space<hbm>> -> memref<100000x128xf32, #tpu.memory_space<hbm>>
        tpu.enqueue_indirect_dma source(%dma_start3A_578 : memref<100000x128xf32, #tpu.memory_space<hbm>>) target(%dma_start3A_572 : memref<64x128xf32, #tpu.memory_space<vmem>>) offsets(%dma_start3A_575 : memref<64xi32, #tpu.memory_space<vmem>>) semaphore(%arg13 : memref<!tpu.dma_semaphore, #tpu.memory_space<semaphore_mem>>)
      } else {
      }
      %add3A_280 = arith.constant 2 : i32
      %add3A_281 = arith.addi %mul3A_188, %add3A_280 : i32
      %dma_wait3A_282 = arith.constant 0 : i32
      %dma_wait3A_283 = arith.constant 0 : i32
      %dma_wait3A_284 = arith.constant 0 : i32
      %dma_wait3A_285 = tpu.memref_slice %arg6[%dma_wait3A_282, %dma_wait3A_283, %dma_wait3A_284] : memref<8x64x128xf32, #tpu.memory_space<vmem>> -> memref<1x64x128xf32, #tpu.memory_space<vmem>>
      %dma_wait3A_286 = tpu.memref_squeeze %dma_wait3A_285 : memref<1x64x128xf32, #tpu.memory_space<vmem>> -> memref<64x128xf32, #tpu.memory_space<vmem>>
      %dma_wait3A_287 = arith.constant 0 : i32
      %dma_wait3A_288 = arith.constant 0 : i32
      %dma_wait3A_289 = tpu.memref_slice %arg4[%dma_wait3A_287, %dma_wait3A_288] : memref<819200x128xf32, #tpu.memory_space<hbm>> -> memref<64x128xf32, #tpu.memory_space<hbm>>
      %dma_wait3A_290 = arith.constant 0 : i32
      %dma_wait3A_291 = arith.constant 0 : i32
      %dma_wait3A_292 = tpu.memref_slice %arg4[%dma_wait3A_290, %dma_wait3A_291] : memref<819200x128xf32, #tpu.memory_space<hbm>> -> memref<64x128xf32, #tpu.memory_space<hbm>>
      %dma_wait3A_293 = arith.constant 0 : i32
      %dma_wait3A_294 = arith.constant 0 : i32
      %dma_wait3A_295 = tpu.memref_slice %arg6[%dma_wait3A_282, %dma_wait3A_293, %dma_wait3A_294] : memref<8x64x128xf32, #tpu.memory_space<vmem>> -> memref<1x64x128xf32, #tpu.memory_space<vmem>>
      %dma_wait3A_296 = tpu.memref_squeeze %dma_wait3A_295 : memref<1x64x128xf32, #tpu.memory_space<vmem>> -> memref<64x128xf32, #tpu.memory_space<vmem>>
      tpu.wait_dma2 semaphore(%arg9 : memref<!tpu.dma_semaphore, #tpu.memory_space<semaphore_mem>>) src(%dma_wait3A_296 : memref<64x128xf32, #tpu.memory_space<vmem>>) dst(%dma_wait3A_292 : memref<64x128xf32, #tpu.memory_space<hbm>>)
      %mul3A_297 = arith.constant 64 : i32
      %mul3A_298 = arith.muli %add3A_281, %mul3A_297 : i32
      %add3A_299 = arith.addi %mul3A_2, %mul3A_298 : i32
      %dma_start3A_300 = arith.constant 2 : i32
      %dma_start3A_301 = arith.constant 0 : i32
      %dma_start3A_302 = arith.constant 0 : i32
      %dma_start3A_303 = tpu.memref_slice %arg6[%dma_start3A_300, %dma_start3A_301, %dma_start3A_302] : memref<8x64x128xf32, #tpu.memory_space<vmem>> -> memref<1x64x128xf32, #tpu.memory_space<vmem>>
      %dma_start3A_304 = tpu.memref_squeeze %dma_start3A_303 : memref<1x64x128xf32, #tpu.memory_space<vmem>> -> memref<64x128xf32, #tpu.memory_space<vmem>>
      %dma_start3A_305 = arith.constant 0 : i32
      %dma_start3A_306 = tpu.memref_slice %arg4[%add3A_299, %dma_start3A_305] : memref<819200x128xf32, #tpu.memory_space<hbm>> -> memref<64x128xf32, #tpu.memory_space<hbm>>
      %dma_start3A_307 = arith.constant 0 : i32
      %dma_start3A_308 = tpu.memref_slice %arg4[%add3A_299, %dma_start3A_307] : memref<819200x128xf32, #tpu.memory_space<hbm>> -> memref<64x128xf32, #tpu.memory_space<hbm>>
      %dma_start3A_309 = arith.constant 0 : i32
      %dma_start3A_310 = arith.constant 0 : i32
      %dma_start3A_311 = tpu.memref_slice %arg6[%dma_start3A_300, %dma_start3A_309, %dma_start3A_310] : memref<8x64x128xf32, #tpu.memory_space<vmem>> -> memref<1x64x128xf32, #tpu.memory_space<vmem>>
      %dma_start3A_312 = tpu.memref_squeeze %dma_start3A_311 : memref<1x64x128xf32, #tpu.memory_space<vmem>> -> memref<64x128xf32, #tpu.memory_space<vmem>>
      tpu.enqueue_dma source(%dma_start3A_312 : memref<64x128xf32, #tpu.memory_space<vmem>>) target(%dma_start3A_308 : memref<64x128xf32, #tpu.memory_space<hbm>>) target_semaphore(%arg17 : memref<!tpu.dma_semaphore, #tpu.memory_space<semaphore_mem>>)
      %add3A_313 = arith.constant 5 : i32
      %add3A_314 = arith.addi %add3A_281, %add3A_313 : i32
      %lt3A_315 = arith.constant 400 : i32
      %lt3A_316 = arith.cmpi slt, %add3A_314, %lt3A_315 : i32
      %ge3A_317 = arith.constant 8 : i32
      %ge3A_318 = arith.cmpi sge, %add3A_314, %ge3A_317 : i32
      %and3A_319 = arith.andi %lt3A_316, %ge3A_318 : i1
      %convert_element_type3A_320 = arith.extui %and3A_319 : i1 to i32
      %cond3A_321 = arith.constant 0 : i32
      %cond3A_322 = arith.cmpi ne, %convert_element_type3A_320, %cond3A_321 : i32
      scf.if %cond3A_322 {
        %dma_wait3A_568 = arith.constant 0 : i32
        %dma_wait3A_569 = arith.constant 0 : i32
        %dma_wait3A_570 = arith.constant 0 : i32
        %dma_wait3A_571 = tpu.memref_slice %arg6[%dma_wait3A_568, %dma_wait3A_569, %dma_wait3A_570] : memref<8x64x128xf32, #tpu.memory_space<vmem>> -> memref<1x64x128xf32, #tpu.memory_space<vmem>>
        %dma_wait3A_572 = tpu.memref_squeeze %dma_wait3A_571 : memref<1x64x128xf32, #tpu.memory_space<vmem>> -> memref<64x128xf32, #tpu.memory_space<vmem>>
        %dma_wait3A_573 = arith.constant 0 : i32
        %dma_wait3A_574 = arith.constant 0 : i32
        %dma_wait3A_575 = tpu.memref_slice %arg4[%dma_wait3A_573, %dma_wait3A_574] : memref<819200x128xf32, #tpu.memory_space<hbm>> -> memref<64x128xf32, #tpu.memory_space<hbm>>
        %dma_wait3A_576 = arith.constant 0 : i32
        %dma_wait3A_577 = arith.constant 0 : i32
        %dma_wait3A_578 = tpu.memref_slice %arg4[%dma_wait3A_576, %dma_wait3A_577] : memref<819200x128xf32, #tpu.memory_space<hbm>> -> memref<64x128xf32, #tpu.memory_space<hbm>>
        %dma_wait3A_579 = arith.constant 0 : i32
        %dma_wait3A_580 = arith.constant 0 : i32
        %dma_wait3A_581 = tpu.memref_slice %arg6[%dma_wait3A_568, %dma_wait3A_579, %dma_wait3A_580] : memref<8x64x128xf32, #tpu.memory_space<vmem>> -> memref<1x64x128xf32, #tpu.memory_space<vmem>>
        %dma_wait3A_582 = tpu.memref_squeeze %dma_wait3A_581 : memref<1x64x128xf32, #tpu.memory_space<vmem>> -> memref<64x128xf32, #tpu.memory_space<vmem>>
        tpu.wait_dma2 semaphore(%arg22 : memref<!tpu.dma_semaphore, #tpu.memory_space<semaphore_mem>>) src(%dma_wait3A_582 : memref<64x128xf32, #tpu.memory_space<vmem>>) dst(%dma_wait3A_578 : memref<64x128xf32, #tpu.memory_space<hbm>>)
      } else {
      }
      %lt3A_323 = arith.constant 400 : i32
      %lt3A_324 = arith.cmpi slt, %add3A_314, %lt3A_323 : i32
      %convert_element_type3A_325 = arith.extui %lt3A_324 : i1 to i32
      %cond3A_326 = arith.constant 0 : i32
      %cond3A_327 = arith.cmpi ne, %convert_element_type3A_325, %cond3A_326 : i32
      scf.if %cond3A_327 {
        %dma_start3A_568 = arith.constant 7 : i32
        %dma_start3A_569 = arith.constant 0 : i32
        %dma_start3A_570 = arith.constant 0 : i32
        %dma_start3A_571 = tpu.memref_slice %arg6[%dma_start3A_568, %dma_start3A_569, %dma_start3A_570] : memref<8x64x128xf32, #tpu.memory_space<vmem>> -> memref<1x64x128xf32, #tpu.memory_space<vmem>>
        %dma_start3A_572 = tpu.memref_squeeze %dma_start3A_571 : memref<1x64x128xf32, #tpu.memory_space<vmem>> -> memref<64x128xf32, #tpu.memory_space<vmem>>
        %dma_start3A_573 = arith.constant 0 : i32
        %dma_start3A_574 = tpu.memref_slice %arg5[%add3A_314, %dma_start3A_573] : memref<400x64xi32, #tpu.memory_space<vmem>> -> memref<1x64xi32, #tpu.memory_space<vmem>>
        %dma_start3A_575 = tpu.memref_squeeze %dma_start3A_574 : memref<1x64xi32, #tpu.memory_space<vmem>> -> memref<64xi32, #tpu.memory_space<vmem>>
        %dma_start3A_576 = arith.constant 0 : i32
        %dma_start3A_577 = arith.constant 0 : i32
        %dma_start3A_578 = tpu.memref_slice %arg2[%dma_start3A_576, %dma_start3A_577] : memref<100000x128xf32, #tpu.memory_space<hbm>> -> memref<100000x128xf32, #tpu.memory_space<hbm>>
        tpu.enqueue_indirect_dma source(%dma_start3A_578 : memref<100000x128xf32, #tpu.memory_space<hbm>>) target(%dma_start3A_572 : memref<64x128xf32, #tpu.memory_space<vmem>>) offsets(%dma_start3A_575 : memref<64xi32, #tpu.memory_space<vmem>>) semaphore(%arg14 : memref<!tpu.dma_semaphore, #tpu.memory_space<semaphore_mem>>)
      } else {
      }
      %add3A_328 = arith.constant 3 : i32
      %add3A_329 = arith.addi %mul3A_188, %add3A_328 : i32
      %dma_wait3A_330 = arith.constant 0 : i32
      %dma_wait3A_331 = arith.constant 0 : i32
      %dma_wait3A_332 = arith.constant 0 : i32
      %dma_wait3A_333 = tpu.memref_slice %arg6[%dma_wait3A_330, %dma_wait3A_331, %dma_wait3A_332] : memref<8x64x128xf32, #tpu.memory_space<vmem>> -> memref<1x64x128xf32, #tpu.memory_space<vmem>>
      %dma_wait3A_334 = tpu.memref_squeeze %dma_wait3A_333 : memref<1x64x128xf32, #tpu.memory_space<vmem>> -> memref<64x128xf32, #tpu.memory_space<vmem>>
      %dma_wait3A_335 = arith.constant 0 : i32
      %dma_wait3A_336 = arith.constant 0 : i32
      %dma_wait3A_337 = tpu.memref_slice %arg4[%dma_wait3A_335, %dma_wait3A_336] : memref<819200x128xf32, #tpu.memory_space<hbm>> -> memref<64x128xf32, #tpu.memory_space<hbm>>
      %dma_wait3A_338 = arith.constant 0 : i32
      %dma_wait3A_339 = arith.constant 0 : i32
      %dma_wait3A_340 = tpu.memref_slice %arg4[%dma_wait3A_338, %dma_wait3A_339] : memref<819200x128xf32, #tpu.memory_space<hbm>> -> memref<64x128xf32, #tpu.memory_space<hbm>>
      %dma_wait3A_341 = arith.constant 0 : i32
      %dma_wait3A_342 = arith.constant 0 : i32
      %dma_wait3A_343 = tpu.memref_slice %arg6[%dma_wait3A_330, %dma_wait3A_341, %dma_wait3A_342] : memref<8x64x128xf32, #tpu.memory_space<vmem>> -> memref<1x64x128xf32, #tpu.memory_space<vmem>>
      %dma_wait3A_344 = tpu.memref_squeeze %dma_wait3A_343 : memref<1x64x128xf32, #tpu.memory_space<vmem>> -> memref<64x128xf32, #tpu.memory_space<vmem>>
      tpu.wait_dma2 semaphore(%arg10 : memref<!tpu.dma_semaphore, #tpu.memory_space<semaphore_mem>>) src(%dma_wait3A_344 : memref<64x128xf32, #tpu.memory_space<vmem>>) dst(%dma_wait3A_340 : memref<64x128xf32, #tpu.memory_space<hbm>>)
      %mul3A_345 = arith.constant 64 : i32
      %mul3A_346 = arith.muli %add3A_329, %mul3A_345 : i32
      %add3A_347 = arith.addi %mul3A_2, %mul3A_346 : i32
      %dma_start3A_348 = arith.constant 3 : i32
      %dma_start3A_349 = arith.constant 0 : i32
      %dma_start3A_350 = arith.constant 0 : i32
      %dma_start3A_351 = tpu.memref_slice %arg6[%dma_start3A_348, %dma_start3A_349, %dma_start3A_350] : memref<8x64x128xf32, #tpu.memory_space<vmem>> -> memref<1x64x128xf32, #tpu.memory_space<vmem>>
      %dma_start3A_352 = tpu.memref_squeeze %dma_start3A_351 : memref<1x64x128xf32, #tpu.memory_space<vmem>> -> memref<64x128xf32, #tpu.memory_space<vmem>>
      %dma_start3A_353 = arith.constant 0 : i32
      %dma_start3A_354 = tpu.memref_slice %arg4[%add3A_347, %dma_start3A_353] : memref<819200x128xf32, #tpu.memory_space<hbm>> -> memref<64x128xf32, #tpu.memory_space<hbm>>
      %dma_start3A_355 = arith.constant 0 : i32
      %dma_start3A_356 = tpu.memref_slice %arg4[%add3A_347, %dma_start3A_355] : memref<819200x128xf32, #tpu.memory_space<hbm>> -> memref<64x128xf32, #tpu.memory_space<hbm>>
      %dma_start3A_357 = arith.constant 0 : i32
      %dma_start3A_358 = arith.constant 0 : i32
      %dma_start3A_359 = tpu.memref_slice %arg6[%dma_start3A_348, %dma_start3A_357, %dma_start3A_358] : memref<8x64x128xf32, #tpu.memory_space<vmem>> -> memref<1x64x128xf32, #tpu.memory_space<vmem>>
      %dma_start3A_360 = tpu.memref_squeeze %dma_start3A_359 : memref<1x64x128xf32, #tpu.memory_space<vmem>> -> memref<64x128xf32, #tpu.memory_space<vmem>>
      tpu.enqueue_dma source(%dma_start3A_360 : memref<64x128xf32, #tpu.memory_space<vmem>>) target(%dma_start3A_356 : memref<64x128xf32, #tpu.memory_space<hbm>>) target_semaphore(%arg18 : memref<!tpu.dma_semaphore, #tpu.memory_space<semaphore_mem>>)
      %add3A_361 = arith.constant 5 : i32
      %add3A_362 = arith.addi %add3A_329, %add3A_361 : i32
      %lt3A_363 = arith.constant 400 : i32
      %lt3A_364 = arith.cmpi slt, %add3A_362, %lt3A_363 : i32
      %ge3A_365 = arith.constant 8 : i32
      %ge3A_366 = arith.cmpi sge, %add3A_362, %ge3A_365 : i32
      %and3A_367 = arith.andi %lt3A_364, %ge3A_366 : i1
      %convert_element_type3A_368 = arith.extui %and3A_367 : i1 to i32
      %cond3A_369 = arith.constant 0 : i32
      %cond3A_370 = arith.cmpi ne, %convert_element_type3A_368, %cond3A_369 : i32
      scf.if %cond3A_370 {
        %dma_wait3A_568 = arith.constant 0 : i32
        %dma_wait3A_569 = arith.constant 0 : i32
        %dma_wait3A_570 = arith.constant 0 : i32
        %dma_wait3A_571 = tpu.memref_slice %arg6[%dma_wait3A_568, %dma_wait3A_569, %dma_wait3A_570] : memref<8x64x128xf32, #tpu.memory_space<vmem>> -> memref<1x64x128xf32, #tpu.memory_space<vmem>>
        %dma_wait3A_572 = tpu.memref_squeeze %dma_wait3A_571 : memref<1x64x128xf32, #tpu.memory_space<vmem>> -> memref<64x128xf32, #tpu.memory_space<vmem>>
        %dma_wait3A_573 = arith.constant 0 : i32
        %dma_wait3A_574 = arith.constant 0 : i32
        %dma_wait3A_575 = tpu.memref_slice %arg4[%dma_wait3A_573, %dma_wait3A_574] : memref<819200x128xf32, #tpu.memory_space<hbm>> -> memref<64x128xf32, #tpu.memory_space<hbm>>
        %dma_wait3A_576 = arith.constant 0 : i32
        %dma_wait3A_577 = arith.constant 0 : i32
        %dma_wait3A_578 = tpu.memref_slice %arg4[%dma_wait3A_576, %dma_wait3A_577] : memref<819200x128xf32, #tpu.memory_space<hbm>> -> memref<64x128xf32, #tpu.memory_space<hbm>>
        %dma_wait3A_579 = arith.constant 0 : i32
        %dma_wait3A_580 = arith.constant 0 : i32
        %dma_wait3A_581 = tpu.memref_slice %arg6[%dma_wait3A_568, %dma_wait3A_579, %dma_wait3A_580] : memref<8x64x128xf32, #tpu.memory_space<vmem>> -> memref<1x64x128xf32, #tpu.memory_space<vmem>>
        %dma_wait3A_582 = tpu.memref_squeeze %dma_wait3A_581 : memref<1x64x128xf32, #tpu.memory_space<vmem>> -> memref<64x128xf32, #tpu.memory_space<vmem>>
        tpu.wait_dma2 semaphore(%arg15 : memref<!tpu.dma_semaphore, #tpu.memory_space<semaphore_mem>>) src(%dma_wait3A_582 : memref<64x128xf32, #tpu.memory_space<vmem>>) dst(%dma_wait3A_578 : memref<64x128xf32, #tpu.memory_space<hbm>>)
      } else {
      }
      %lt3A_371 = arith.constant 400 : i32
      %lt3A_372 = arith.cmpi slt, %add3A_362, %lt3A_371 : i32
      %convert_element_type3A_373 = arith.extui %lt3A_372 : i1 to i32
      %cond3A_374 = arith.constant 0 : i32
      %cond3A_375 = arith.cmpi ne, %convert_element_type3A_373, %cond3A_374 : i32
      scf.if %cond3A_375 {
        %dma_start3A_568 = arith.constant 0 : i32
        %dma_start3A_569 = arith.constant 0 : i32
        %dma_start3A_570 = arith.constant 0 : i32
        %dma_start3A_571 = tpu.memref_slice %arg6[%dma_start3A_568, %dma_start3A_569, %dma_start3A_570] : memref<8x64x128xf32, #tpu.memory_space<vmem>> -> memref<1x64x128xf32, #tpu.memory_space<vmem>>
        %dma_start3A_572 = tpu.memref_squeeze %dma_start3A_571 : memref<1x64x128xf32, #tpu.memory_space<vmem>> -> memref<64x128xf32, #tpu.memory_space<vmem>>
        %dma_start3A_573 = arith.constant 0 : i32
        %dma_start3A_574 = tpu.memref_slice %arg5[%add3A_362, %dma_start3A_573] : memref<400x64xi32, #tpu.memory_space<vmem>> -> memref<1x64xi32, #tpu.memory_space<vmem>>
        %dma_start3A_575 = tpu.memref_squeeze %dma_start3A_574 : memref<1x64xi32, #tpu.memory_space<vmem>> -> memref<64xi32, #tpu.memory_space<vmem>>
        %dma_start3A_576 = arith.constant 0 : i32
        %dma_start3A_577 = arith.constant 0 : i32
        %dma_start3A_578 = tpu.memref_slice %arg2[%dma_start3A_576, %dma_start3A_577] : memref<100000x128xf32, #tpu.memory_space<hbm>> -> memref<100000x128xf32, #tpu.memory_space<hbm>>
        tpu.enqueue_indirect_dma source(%dma_start3A_578 : memref<100000x128xf32, #tpu.memory_space<hbm>>) target(%dma_start3A_572 : memref<64x128xf32, #tpu.memory_space<vmem>>) offsets(%dma_start3A_575 : memref<64xi32, #tpu.memory_space<vmem>>) semaphore(%arg7 : memref<!tpu.dma_semaphore, #tpu.memory_space<semaphore_mem>>)
      } else {
      }
      %add3A_376 = arith.constant 4 : i32
      %add3A_377 = arith.addi %mul3A_188, %add3A_376 : i32
      %dma_wait3A_378 = arith.constant 0 : i32
      %dma_wait3A_379 = arith.constant 0 : i32
      %dma_wait3A_380 = arith.constant 0 : i32
      %dma_wait3A_381 = tpu.memref_slice %arg6[%dma_wait3A_378, %dma_wait3A_379, %dma_wait3A_380] : memref<8x64x128xf32, #tpu.memory_space<vmem>> -> memref<1x64x128xf32, #tpu.memory_space<vmem>>
      %dma_wait3A_382 = tpu.memref_squeeze %dma_wait3A_381 : memref<1x64x128xf32, #tpu.memory_space<vmem>> -> memref<64x128xf32, #tpu.memory_space<vmem>>
      %dma_wait3A_383 = arith.constant 0 : i32
      %dma_wait3A_384 = arith.constant 0 : i32
      %dma_wait3A_385 = tpu.memref_slice %arg4[%dma_wait3A_383, %dma_wait3A_384] : memref<819200x128xf32, #tpu.memory_space<hbm>> -> memref<64x128xf32, #tpu.memory_space<hbm>>
      %dma_wait3A_386 = arith.constant 0 : i32
      %dma_wait3A_387 = arith.constant 0 : i32
      %dma_wait3A_388 = tpu.memref_slice %arg4[%dma_wait3A_386, %dma_wait3A_387] : memref<819200x128xf32, #tpu.memory_space<hbm>> -> memref<64x128xf32, #tpu.memory_space<hbm>>
      %dma_wait3A_389 = arith.constant 0 : i32
      %dma_wait3A_390 = arith.constant 0 : i32
      %dma_wait3A_391 = tpu.memref_slice %arg6[%dma_wait3A_378, %dma_wait3A_389, %dma_wait3A_390] : memref<8x64x128xf32, #tpu.memory_space<vmem>> -> memref<1x64x128xf32, #tpu.memory_space<vmem>>
      %dma_wait3A_392 = tpu.memref_squeeze %dma_wait3A_391 : memref<1x64x128xf32, #tpu.memory_space<vmem>> -> memref<64x128xf32, #tpu.memory_space<vmem>>
      tpu.wait_dma2 semaphore(%arg11 : memref<!tpu.dma_semaphore, #tpu.memory_space<semaphore_mem>>) src(%dma_wait3A_392 : memref<64x128xf32, #tpu.memory_space<vmem>>) dst(%dma_wait3A_388 : memref<64x128xf32, #tpu.memory_space<hbm>>)
      %mul3A_393 = arith.constant 64 : i32
      %mul3A_394 = arith.muli %add3A_377, %mul3A_393 : i32
      %add3A_395 = arith.addi %mul3A_2, %mul3A_394 : i32
      %dma_start3A_396 = arith.constant 4 : i32
      %dma_start3A_397 = arith.constant 0 : i32
      %dma_start3A_398 = arith.constant 0 : i32
      %dma_start3A_399 = tpu.memref_slice %arg6[%dma_start3A_396, %dma_start3A_397, %dma_start3A_398] : memref<8x64x128xf32, #tpu.memory_space<vmem>> -> memref<1x64x128xf32, #tpu.memory_space<vmem>>
      %dma_start3A_400 = tpu.memref_squeeze %dma_start3A_399 : memref<1x64x128xf32, #tpu.memory_space<vmem>> -> memref<64x128xf32, #tpu.memory_space<vmem>>
      %dma_start3A_401 = arith.constant 0 : i32
      %dma_start3A_402 = tpu.memref_slice %arg4[%add3A_395, %dma_start3A_401] : memref<819200x128xf32, #tpu.memory_space<hbm>> -> memref<64x128xf32, #tpu.memory_space<hbm>>
      %dma_start3A_403 = arith.constant 0 : i32
      %dma_start3A_404 = tpu.memref_slice %arg4[%add3A_395, %dma_start3A_403] : memref<819200x128xf32, #tpu.memory_space<hbm>> -> memref<64x128xf32, #tpu.memory_space<hbm>>
      %dma_start3A_405 = arith.constant 0 : i32
      %dma_start3A_406 = arith.constant 0 : i32
      %dma_start3A_407 = tpu.memref_slice %arg6[%dma_start3A_396, %dma_start3A_405, %dma_start3A_406] : memref<8x64x128xf32, #tpu.memory_space<vmem>> -> memref<1x64x128xf32, #tpu.memory_space<vmem>>
      %dma_start3A_408 = tpu.memref_squeeze %dma_start3A_407 : memref<1x64x128xf32, #tpu.memory_space<vmem>> -> memref<64x128xf32, #tpu.memory_space<vmem>>
      tpu.enqueue_dma source(%dma_start3A_408 : memref<64x128xf32, #tpu.memory_space<vmem>>) target(%dma_start3A_404 : memref<64x128xf32, #tpu.memory_space<hbm>>) target_semaphore(%arg19 : memref<!tpu.dma_semaphore, #tpu.memory_space<semaphore_mem>>)
      %add3A_409 = arith.constant 5 : i32
      %add3A_410 = arith.addi %add3A_377, %add3A_409 : i32
      %lt3A_411 = arith.constant 400 : i32
      %lt3A_412 = arith.cmpi slt, %add3A_410, %lt3A_411 : i32
      %ge3A_413 = arith.constant 8 : i32
      %ge3A_414 = arith.cmpi sge, %add3A_410, %ge3A_413 : i32
      %and3A_415 = arith.andi %lt3A_412, %ge3A_414 : i1
      %convert_element_type3A_416 = arith.extui %and3A_415 : i1 to i32
      %cond3A_417 = arith.constant 0 : i32
      %cond3A_418 = arith.cmpi ne, %convert_element_type3A_416, %cond3A_417 : i32
      scf.if %cond3A_418 {
        %dma_wait3A_568 = arith.constant 0 : i32
        %dma_wait3A_569 = arith.constant 0 : i32
        %dma_wait3A_570 = arith.constant 0 : i32
        %dma_wait3A_571 = tpu.memref_slice %arg6[%dma_wait3A_568, %dma_wait3A_569, %dma_wait3A_570] : memref<8x64x128xf32, #tpu.memory_space<vmem>> -> memref<1x64x128xf32, #tpu.memory_space<vmem>>
        %dma_wait3A_572 = tpu.memref_squeeze %dma_wait3A_571 : memref<1x64x128xf32, #tpu.memory_space<vmem>> -> memref<64x128xf32, #tpu.memory_space<vmem>>
        %dma_wait3A_573 = arith.constant 0 : i32
        %dma_wait3A_574 = arith.constant 0 : i32
        %dma_wait3A_575 = tpu.memref_slice %arg4[%dma_wait3A_573, %dma_wait3A_574] : memref<819200x128xf32, #tpu.memory_space<hbm>> -> memref<64x128xf32, #tpu.memory_space<hbm>>
        %dma_wait3A_576 = arith.constant 0 : i32
        %dma_wait3A_577 = arith.constant 0 : i32
        %dma_wait3A_578 = tpu.memref_slice %arg4[%dma_wait3A_576, %dma_wait3A_577] : memref<819200x128xf32, #tpu.memory_space<hbm>> -> memref<64x128xf32, #tpu.memory_space<hbm>>
        %dma_wait3A_579 = arith.constant 0 : i32
        %dma_wait3A_580 = arith.constant 0 : i32
        %dma_wait3A_581 = tpu.memref_slice %arg6[%dma_wait3A_568, %dma_wait3A_579, %dma_wait3A_580] : memref<8x64x128xf32, #tpu.memory_space<vmem>> -> memref<1x64x128xf32, #tpu.memory_space<vmem>>
        %dma_wait3A_582 = tpu.memref_squeeze %dma_wait3A_581 : memref<1x64x128xf32, #tpu.memory_space<vmem>> -> memref<64x128xf32, #tpu.memory_space<vmem>>
        tpu.wait_dma2 semaphore(%arg16 : memref<!tpu.dma_semaphore, #tpu.memory_space<semaphore_mem>>) src(%dma_wait3A_582 : memref<64x128xf32, #tpu.memory_space<vmem>>) dst(%dma_wait3A_578 : memref<64x128xf32, #tpu.memory_space<hbm>>)
      } else {
      }
      %lt3A_419 = arith.constant 400 : i32
      %lt3A_420 = arith.cmpi slt, %add3A_410, %lt3A_419 : i32
      %convert_element_type3A_421 = arith.extui %lt3A_420 : i1 to i32
      %cond3A_422 = arith.constant 0 : i32
      %cond3A_423 = arith.cmpi ne, %convert_element_type3A_421, %cond3A_422 : i32
      scf.if %cond3A_423 {
        %dma_start3A_568 = arith.constant 1 : i32
        %dma_start3A_569 = arith.constant 0 : i32
        %dma_start3A_570 = arith.constant 0 : i32
        %dma_start3A_571 = tpu.memref_slice %arg6[%dma_start3A_568, %dma_start3A_569, %dma_start3A_570] : memref<8x64x128xf32, #tpu.memory_space<vmem>> -> memref<1x64x128xf32, #tpu.memory_space<vmem>>
        %dma_start3A_572 = tpu.memref_squeeze %dma_start3A_571 : memref<1x64x128xf32, #tpu.memory_space<vmem>> -> memref<64x128xf32, #tpu.memory_space<vmem>>
        %dma_start3A_573 = arith.constant 0 : i32
        %dma_start3A_574 = tpu.memref_slice %arg5[%add3A_410, %dma_start3A_573] : memref<400x64xi32, #tpu.memory_space<vmem>> -> memref<1x64xi32, #tpu.memory_space<vmem>>
        %dma_start3A_575 = tpu.memref_squeeze %dma_start3A_574 : memref<1x64xi32, #tpu.memory_space<vmem>> -> memref<64xi32, #tpu.memory_space<vmem>>
        %dma_start3A_576 = arith.constant 0 : i32
        %dma_start3A_577 = arith.constant 0 : i32
        %dma_start3A_578 = tpu.memref_slice %arg2[%dma_start3A_576, %dma_start3A_577] : memref<100000x128xf32, #tpu.memory_space<hbm>> -> memref<100000x128xf32, #tpu.memory_space<hbm>>
        tpu.enqueue_indirect_dma source(%dma_start3A_578 : memref<100000x128xf32, #tpu.memory_space<hbm>>) target(%dma_start3A_572 : memref<64x128xf32, #tpu.memory_space<vmem>>) offsets(%dma_start3A_575 : memref<64xi32, #tpu.memory_space<vmem>>) semaphore(%arg8 : memref<!tpu.dma_semaphore, #tpu.memory_space<semaphore_mem>>)
      } else {
      }
      %add3A_424 = arith.constant 5 : i32
      %add3A_425 = arith.addi %mul3A_188, %add3A_424 : i32
      %dma_wait3A_426 = arith.constant 0 : i32
      %dma_wait3A_427 = arith.constant 0 : i32
      %dma_wait3A_428 = arith.constant 0 : i32
      %dma_wait3A_429 = tpu.memref_slice %arg6[%dma_wait3A_426, %dma_wait3A_427, %dma_wait3A_428] : memref<8x64x128xf32, #tpu.memory_space<vmem>> -> memref<1x64x128xf32, #tpu.memory_space<vmem>>
      %dma_wait3A_430 = tpu.memref_squeeze %dma_wait3A_429 : memref<1x64x128xf32, #tpu.memory_space<vmem>> -> memref<64x128xf32, #tpu.memory_space<vmem>>
      %dma_wait3A_431 = arith.constant 0 : i32
      %dma_wait3A_432 = arith.constant 0 : i32
      %dma_wait3A_433 = tpu.memref_slice %arg4[%dma_wait3A_431, %dma_wait3A_432] : memref<819200x128xf32, #tpu.memory_space<hbm>> -> memref<64x128xf32, #tpu.memory_space<hbm>>
      %dma_wait3A_434 = arith.constant 0 : i32
      %dma_wait3A_435 = arith.constant 0 : i32
      %dma_wait3A_436 = tpu.memref_slice %arg4[%dma_wait3A_434, %dma_wait3A_435] : memref<819200x128xf32, #tpu.memory_space<hbm>> -> memref<64x128xf32, #tpu.memory_space<hbm>>
      %dma_wait3A_437 = arith.constant 0 : i32
      %dma_wait3A_438 = arith.constant 0 : i32
      %dma_wait3A_439 = tpu.memref_slice %arg6[%dma_wait3A_426, %dma_wait3A_437, %dma_wait3A_438] : memref<8x64x128xf32, #tpu.memory_space<vmem>> -> memref<1x64x128xf32, #tpu.memory_space<vmem>>
      %dma_wait3A_440 = tpu.memref_squeeze %dma_wait3A_439 : memref<1x64x128xf32, #tpu.memory_space<vmem>> -> memref<64x128xf32, #tpu.memory_space<vmem>>
      tpu.wait_dma2 semaphore(%arg12 : memref<!tpu.dma_semaphore, #tpu.memory_space<semaphore_mem>>) src(%dma_wait3A_440 : memref<64x128xf32, #tpu.memory_space<vmem>>) dst(%dma_wait3A_436 : memref<64x128xf32, #tpu.memory_space<hbm>>)
      %mul3A_441 = arith.constant 64 : i32
      %mul3A_442 = arith.muli %add3A_425, %mul3A_441 : i32
      %add3A_443 = arith.addi %mul3A_2, %mul3A_442 : i32
      %dma_start3A_444 = arith.constant 5 : i32
      %dma_start3A_445 = arith.constant 0 : i32
      %dma_start3A_446 = arith.constant 0 : i32
      %dma_start3A_447 = tpu.memref_slice %arg6[%dma_start3A_444, %dma_start3A_445, %dma_start3A_446] : memref<8x64x128xf32, #tpu.memory_space<vmem>> -> memref<1x64x128xf32, #tpu.memory_space<vmem>>
      %dma_start3A_448 = tpu.memref_squeeze %dma_start3A_447 : memref<1x64x128xf32, #tpu.memory_space<vmem>> -> memref<64x128xf32, #tpu.memory_space<vmem>>
      %dma_start3A_449 = arith.constant 0 : i32
      %dma_start3A_450 = tpu.memref_slice %arg4[%add3A_443, %dma_start3A_449] : memref<819200x128xf32, #tpu.memory_space<hbm>> -> memref<64x128xf32, #tpu.memory_space<hbm>>
      %dma_start3A_451 = arith.constant 0 : i32
      %dma_start3A_452 = tpu.memref_slice %arg4[%add3A_443, %dma_start3A_451] : memref<819200x128xf32, #tpu.memory_space<hbm>> -> memref<64x128xf32, #tpu.memory_space<hbm>>
      %dma_start3A_453 = arith.constant 0 : i32
      %dma_start3A_454 = arith.constant 0 : i32
      %dma_start3A_455 = tpu.memref_slice %arg6[%dma_start3A_444, %dma_start3A_453, %dma_start3A_454] : memref<8x64x128xf32, #tpu.memory_space<vmem>> -> memref<1x64x128xf32, #tpu.memory_space<vmem>>
      %dma_start3A_456 = tpu.memref_squeeze %dma_start3A_455 : memref<1x64x128xf32, #tpu.memory_space<vmem>> -> memref<64x128xf32, #tpu.memory_space<vmem>>
      tpu.enqueue_dma source(%dma_start3A_456 : memref<64x128xf32, #tpu.memory_space<vmem>>) target(%dma_start3A_452 : memref<64x128xf32, #tpu.memory_space<hbm>>) target_semaphore(%arg20 : memref<!tpu.dma_semaphore, #tpu.memory_space<semaphore_mem>>)
      %add3A_457 = arith.constant 5 : i32
      %add3A_458 = arith.addi %add3A_425, %add3A_457 : i32
      %lt3A_459 = arith.constant 400 : i32
      %lt3A_460 = arith.cmpi slt, %add3A_458, %lt3A_459 : i32
      %ge3A_461 = arith.constant 8 : i32
      %ge3A_462 = arith.cmpi sge, %add3A_458, %ge3A_461 : i32
      %and3A_463 = arith.andi %lt3A_460, %ge3A_462 : i1
      %convert_element_type3A_464 = arith.extui %and3A_463 : i1 to i32
      %cond3A_465 = arith.constant 0 : i32
      %cond3A_466 = arith.cmpi ne, %convert_element_type3A_464, %cond3A_465 : i32
      scf.if %cond3A_466 {
        %dma_wait3A_568 = arith.constant 0 : i32
        %dma_wait3A_569 = arith.constant 0 : i32
        %dma_wait3A_570 = arith.constant 0 : i32
        %dma_wait3A_571 = tpu.memref_slice %arg6[%dma_wait3A_568, %dma_wait3A_569, %dma_wait3A_570] : memref<8x64x128xf32, #tpu.memory_space<vmem>> -> memref<1x64x128xf32, #tpu.memory_space<vmem>>
        %dma_wait3A_572 = tpu.memref_squeeze %dma_wait3A_571 : memref<1x64x128xf32, #tpu.memory_space<vmem>> -> memref<64x128xf32, #tpu.memory_space<vmem>>
        %dma_wait3A_573 = arith.constant 0 : i32
        %dma_wait3A_574 = arith.constant 0 : i32
        %dma_wait3A_575 = tpu.memref_slice %arg4[%dma_wait3A_573, %dma_wait3A_574] : memref<819200x128xf32, #tpu.memory_space<hbm>> -> memref<64x128xf32, #tpu.memory_space<hbm>>
        %dma_wait3A_576 = arith.constant 0 : i32
        %dma_wait3A_577 = arith.constant 0 : i32
        %dma_wait3A_578 = tpu.memref_slice %arg4[%dma_wait3A_576, %dma_wait3A_577] : memref<819200x128xf32, #tpu.memory_space<hbm>> -> memref<64x128xf32, #tpu.memory_space<hbm>>
        %dma_wait3A_579 = arith.constant 0 : i32
        %dma_wait3A_580 = arith.constant 0 : i32
        %dma_wait3A_581 = tpu.memref_slice %arg6[%dma_wait3A_568, %dma_wait3A_579, %dma_wait3A_580] : memref<8x64x128xf32, #tpu.memory_space<vmem>> -> memref<1x64x128xf32, #tpu.memory_space<vmem>>
        %dma_wait3A_582 = tpu.memref_squeeze %dma_wait3A_581 : memref<1x64x128xf32, #tpu.memory_space<vmem>> -> memref<64x128xf32, #tpu.memory_space<vmem>>
        tpu.wait_dma2 semaphore(%arg17 : memref<!tpu.dma_semaphore, #tpu.memory_space<semaphore_mem>>) src(%dma_wait3A_582 : memref<64x128xf32, #tpu.memory_space<vmem>>) dst(%dma_wait3A_578 : memref<64x128xf32, #tpu.memory_space<hbm>>)
      } else {
      }
      %lt3A_467 = arith.constant 400 : i32
      %lt3A_468 = arith.cmpi slt, %add3A_458, %lt3A_467 : i32
      %convert_element_type3A_469 = arith.extui %lt3A_468 : i1 to i32
      %cond3A_470 = arith.constant 0 : i32
      %cond3A_471 = arith.cmpi ne, %convert_element_type3A_469, %cond3A_470 : i32
      scf.if %cond3A_471 {
        %dma_start3A_568 = arith.constant 2 : i32
        %dma_start3A_569 = arith.constant 0 : i32
        %dma_start3A_570 = arith.constant 0 : i32
        %dma_start3A_571 = tpu.memref_slice %arg6[%dma_start3A_568, %dma_start3A_569, %dma_start3A_570] : memref<8x64x128xf32, #tpu.memory_space<vmem>> -> memref<1x64x128xf32, #tpu.memory_space<vmem>>
        %dma_start3A_572 = tpu.memref_squeeze %dma_start3A_571 : memref<1x64x128xf32, #tpu.memory_space<vmem>> -> memref<64x128xf32, #tpu.memory_space<vmem>>
        %dma_start3A_573 = arith.constant 0 : i32
        %dma_start3A_574 = tpu.memref_slice %arg5[%add3A_458, %dma_start3A_573] : memref<400x64xi32, #tpu.memory_space<vmem>> -> memref<1x64xi32, #tpu.memory_space<vmem>>
        %dma_start3A_575 = tpu.memref_squeeze %dma_start3A_574 : memref<1x64xi32, #tpu.memory_space<vmem>> -> memref<64xi32, #tpu.memory_space<vmem>>
        %dma_start3A_576 = arith.constant 0 : i32
        %dma_start3A_577 = arith.constant 0 : i32
        %dma_start3A_578 = tpu.memref_slice %arg2[%dma_start3A_576, %dma_start3A_577] : memref<100000x128xf32, #tpu.memory_space<hbm>> -> memref<100000x128xf32, #tpu.memory_space<hbm>>
        tpu.enqueue_indirect_dma source(%dma_start3A_578 : memref<100000x128xf32, #tpu.memory_space<hbm>>) target(%dma_start3A_572 : memref<64x128xf32, #tpu.memory_space<vmem>>) offsets(%dma_start3A_575 : memref<64xi32, #tpu.memory_space<vmem>>) semaphore(%arg9 : memref<!tpu.dma_semaphore, #tpu.memory_space<semaphore_mem>>)
      } else {
      }
      %add3A_472 = arith.constant 6 : i32
      %add3A_473 = arith.addi %mul3A_188, %add3A_472 : i32
      %dma_wait3A_474 = arith.constant 0 : i32
      %dma_wait3A_475 = arith.constant 0 : i32
      %dma_wait3A_476 = arith.constant 0 : i32
      %dma_wait3A_477 = tpu.memref_slice %arg6[%dma_wait3A_474, %dma_wait3A_475, %dma_wait3A_476] : memref<8x64x128xf32, #tpu.memory_space<vmem>> -> memref<1x64x128xf32, #tpu.memory_space<vmem>>
      %dma_wait3A_478 = tpu.memref_squeeze %dma_wait3A_477 : memref<1x64x128xf32, #tpu.memory_space<vmem>> -> memref<64x128xf32, #tpu.memory_space<vmem>>
      %dma_wait3A_479 = arith.constant 0 : i32
      %dma_wait3A_480 = arith.constant 0 : i32
      %dma_wait3A_481 = tpu.memref_slice %arg4[%dma_wait3A_479, %dma_wait3A_480] : memref<819200x128xf32, #tpu.memory_space<hbm>> -> memref<64x128xf32, #tpu.memory_space<hbm>>
      %dma_wait3A_482 = arith.constant 0 : i32
      %dma_wait3A_483 = arith.constant 0 : i32
      %dma_wait3A_484 = tpu.memref_slice %arg4[%dma_wait3A_482, %dma_wait3A_483] : memref<819200x128xf32, #tpu.memory_space<hbm>> -> memref<64x128xf32, #tpu.memory_space<hbm>>
      %dma_wait3A_485 = arith.constant 0 : i32
      %dma_wait3A_486 = arith.constant 0 : i32
      %dma_wait3A_487 = tpu.memref_slice %arg6[%dma_wait3A_474, %dma_wait3A_485, %dma_wait3A_486] : memref<8x64x128xf32, #tpu.memory_space<vmem>> -> memref<1x64x128xf32, #tpu.memory_space<vmem>>
      %dma_wait3A_488 = tpu.memref_squeeze %dma_wait3A_487 : memref<1x64x128xf32, #tpu.memory_space<vmem>> -> memref<64x128xf32, #tpu.memory_space<vmem>>
      tpu.wait_dma2 semaphore(%arg13 : memref<!tpu.dma_semaphore, #tpu.memory_space<semaphore_mem>>) src(%dma_wait3A_488 : memref<64x128xf32, #tpu.memory_space<vmem>>) dst(%dma_wait3A_484 : memref<64x128xf32, #tpu.memory_space<hbm>>)
      %mul3A_489 = arith.constant 64 : i32
      %mul3A_490 = arith.muli %add3A_473, %mul3A_489 : i32
      %add3A_491 = arith.addi %mul3A_2, %mul3A_490 : i32
      %dma_start3A_492 = arith.constant 6 : i32
      %dma_start3A_493 = arith.constant 0 : i32
      %dma_start3A_494 = arith.constant 0 : i32
      %dma_start3A_495 = tpu.memref_slice %arg6[%dma_start3A_492, %dma_start3A_493, %dma_start3A_494] : memref<8x64x128xf32, #tpu.memory_space<vmem>> -> memref<1x64x128xf32, #tpu.memory_space<vmem>>
      %dma_start3A_496 = tpu.memref_squeeze %dma_start3A_495 : memref<1x64x128xf32, #tpu.memory_space<vmem>> -> memref<64x128xf32, #tpu.memory_space<vmem>>
      %dma_start3A_497 = arith.constant 0 : i32
      %dma_start3A_498 = tpu.memref_slice %arg4[%add3A_491, %dma_start3A_497] : memref<819200x128xf32, #tpu.memory_space<hbm>> -> memref<64x128xf32, #tpu.memory_space<hbm>>
      %dma_start3A_499 = arith.constant 0 : i32
      %dma_start3A_500 = tpu.memref_slice %arg4[%add3A_491, %dma_start3A_499] : memref<819200x128xf32, #tpu.memory_space<hbm>> -> memref<64x128xf32, #tpu.memory_space<hbm>>
      %dma_start3A_501 = arith.constant 0 : i32
      %dma_start3A_502 = arith.constant 0 : i32
      %dma_start3A_503 = tpu.memref_slice %arg6[%dma_start3A_492, %dma_start3A_501, %dma_start3A_502] : memref<8x64x128xf32, #tpu.memory_space<vmem>> -> memref<1x64x128xf32, #tpu.memory_space<vmem>>
      %dma_start3A_504 = tpu.memref_squeeze %dma_start3A_503 : memref<1x64x128xf32, #tpu.memory_space<vmem>> -> memref<64x128xf32, #tpu.memory_space<vmem>>
      tpu.enqueue_dma source(%dma_start3A_504 : memref<64x128xf32, #tpu.memory_space<vmem>>) target(%dma_start3A_500 : memref<64x128xf32, #tpu.memory_space<hbm>>) target_semaphore(%arg21 : memref<!tpu.dma_semaphore, #tpu.memory_space<semaphore_mem>>)
      %add3A_505 = arith.constant 5 : i32
      %add3A_506 = arith.addi %add3A_473, %add3A_505 : i32
      %lt3A_507 = arith.constant 400 : i32
      %lt3A_508 = arith.cmpi slt, %add3A_506, %lt3A_507 : i32
      %ge3A_509 = arith.constant 8 : i32
      %ge3A_510 = arith.cmpi sge, %add3A_506, %ge3A_509 : i32
      %and3A_511 = arith.andi %lt3A_508, %ge3A_510 : i1
      %convert_element_type3A_512 = arith.extui %and3A_511 : i1 to i32
      %cond3A_513 = arith.constant 0 : i32
      %cond3A_514 = arith.cmpi ne, %convert_element_type3A_512, %cond3A_513 : i32
      scf.if %cond3A_514 {
        %dma_wait3A_568 = arith.constant 0 : i32
        %dma_wait3A_569 = arith.constant 0 : i32
        %dma_wait3A_570 = arith.constant 0 : i32
        %dma_wait3A_571 = tpu.memref_slice %arg6[%dma_wait3A_568, %dma_wait3A_569, %dma_wait3A_570] : memref<8x64x128xf32, #tpu.memory_space<vmem>> -> memref<1x64x128xf32, #tpu.memory_space<vmem>>
        %dma_wait3A_572 = tpu.memref_squeeze %dma_wait3A_571 : memref<1x64x128xf32, #tpu.memory_space<vmem>> -> memref<64x128xf32, #tpu.memory_space<vmem>>
        %dma_wait3A_573 = arith.constant 0 : i32
        %dma_wait3A_574 = arith.constant 0 : i32
        %dma_wait3A_575 = tpu.memref_slice %arg4[%dma_wait3A_573, %dma_wait3A_574] : memref<819200x128xf32, #tpu.memory_space<hbm>> -> memref<64x128xf32, #tpu.memory_space<hbm>>
        %dma_wait3A_576 = arith.constant 0 : i32
        %dma_wait3A_577 = arith.constant 0 : i32
        %dma_wait3A_578 = tpu.memref_slice %arg4[%dma_wait3A_576, %dma_wait3A_577] : memref<819200x128xf32, #tpu.memory_space<hbm>> -> memref<64x128xf32, #tpu.memory_space<hbm>>
        %dma_wait3A_579 = arith.constant 0 : i32
        %dma_wait3A_580 = arith.constant 0 : i32
        %dma_wait3A_581 = tpu.memref_slice %arg6[%dma_wait3A_568, %dma_wait3A_579, %dma_wait3A_580] : memref<8x64x128xf32, #tpu.memory_space<vmem>> -> memref<1x64x128xf32, #tpu.memory_space<vmem>>
        %dma_wait3A_582 = tpu.memref_squeeze %dma_wait3A_581 : memref<1x64x128xf32, #tpu.memory_space<vmem>> -> memref<64x128xf32, #tpu.memory_space<vmem>>
        tpu.wait_dma2 semaphore(%arg18 : memref<!tpu.dma_semaphore, #tpu.memory_space<semaphore_mem>>) src(%dma_wait3A_582 : memref<64x128xf32, #tpu.memory_space<vmem>>) dst(%dma_wait3A_578 : memref<64x128xf32, #tpu.memory_space<hbm>>)
      } else {
      }
      %lt3A_515 = arith.constant 400 : i32
      %lt3A_516 = arith.cmpi slt, %add3A_506, %lt3A_515 : i32
      %convert_element_type3A_517 = arith.extui %lt3A_516 : i1 to i32
      %cond3A_518 = arith.constant 0 : i32
      %cond3A_519 = arith.cmpi ne, %convert_element_type3A_517, %cond3A_518 : i32
      scf.if %cond3A_519 {
        %dma_start3A_568 = arith.constant 3 : i32
        %dma_start3A_569 = arith.constant 0 : i32
        %dma_start3A_570 = arith.constant 0 : i32
        %dma_start3A_571 = tpu.memref_slice %arg6[%dma_start3A_568, %dma_start3A_569, %dma_start3A_570] : memref<8x64x128xf32, #tpu.memory_space<vmem>> -> memref<1x64x128xf32, #tpu.memory_space<vmem>>
        %dma_start3A_572 = tpu.memref_squeeze %dma_start3A_571 : memref<1x64x128xf32, #tpu.memory_space<vmem>> -> memref<64x128xf32, #tpu.memory_space<vmem>>
        %dma_start3A_573 = arith.constant 0 : i32
        %dma_start3A_574 = tpu.memref_slice %arg5[%add3A_506, %dma_start3A_573] : memref<400x64xi32, #tpu.memory_space<vmem>> -> memref<1x64xi32, #tpu.memory_space<vmem>>
        %dma_start3A_575 = tpu.memref_squeeze %dma_start3A_574 : memref<1x64xi32, #tpu.memory_space<vmem>> -> memref<64xi32, #tpu.memory_space<vmem>>
        %dma_start3A_576 = arith.constant 0 : i32
        %dma_start3A_577 = arith.constant 0 : i32
        %dma_start3A_578 = tpu.memref_slice %arg2[%dma_start3A_576, %dma_start3A_577] : memref<100000x128xf32, #tpu.memory_space<hbm>> -> memref<100000x128xf32, #tpu.memory_space<hbm>>
        tpu.enqueue_indirect_dma source(%dma_start3A_578 : memref<100000x128xf32, #tpu.memory_space<hbm>>) target(%dma_start3A_572 : memref<64x128xf32, #tpu.memory_space<vmem>>) offsets(%dma_start3A_575 : memref<64xi32, #tpu.memory_space<vmem>>) semaphore(%arg10 : memref<!tpu.dma_semaphore, #tpu.memory_space<semaphore_mem>>)
      } else {
      }
      %add3A_520 = arith.constant 7 : i32
      %add3A_521 = arith.addi %mul3A_188, %add3A_520 : i32
      %dma_wait3A_522 = arith.constant 0 : i32
      %dma_wait3A_523 = arith.constant 0 : i32
      %dma_wait3A_524 = arith.constant 0 : i32
      %dma_wait3A_525 = tpu.memref_slice %arg6[%dma_wait3A_522, %dma_wait3A_523, %dma_wait3A_524] : memref<8x64x128xf32, #tpu.memory_space<vmem>> -> memref<1x64x128xf32, #tpu.memory_space<vmem>>
      %dma_wait3A_526 = tpu.memref_squeeze %dma_wait3A_525 : memref<1x64x128xf32, #tpu.memory_space<vmem>> -> memref<64x128xf32, #tpu.memory_space<vmem>>
      %dma_wait3A_527 = arith.constant 0 : i32
      %dma_wait3A_528 = arith.constant 0 : i32
      %dma_wait3A_529 = tpu.memref_slice %arg4[%dma_wait3A_527, %dma_wait3A_528] : memref<819200x128xf32, #tpu.memory_space<hbm>> -> memref<64x128xf32, #tpu.memory_space<hbm>>
      %dma_wait3A_530 = arith.constant 0 : i32
      %dma_wait3A_531 = arith.constant 0 : i32
      %dma_wait3A_532 = tpu.memref_slice %arg4[%dma_wait3A_530, %dma_wait3A_531] : memref<819200x128xf32, #tpu.memory_space<hbm>> -> memref<64x128xf32, #tpu.memory_space<hbm>>
      %dma_wait3A_533 = arith.constant 0 : i32
      %dma_wait3A_534 = arith.constant 0 : i32
      %dma_wait3A_535 = tpu.memref_slice %arg6[%dma_wait3A_522, %dma_wait3A_533, %dma_wait3A_534] : memref<8x64x128xf32, #tpu.memory_space<vmem>> -> memref<1x64x128xf32, #tpu.memory_space<vmem>>
      %dma_wait3A_536 = tpu.memref_squeeze %dma_wait3A_535 : memref<1x64x128xf32, #tpu.memory_space<vmem>> -> memref<64x128xf32, #tpu.memory_space<vmem>>
      tpu.wait_dma2 semaphore(%arg14 : memref<!tpu.dma_semaphore, #tpu.memory_space<semaphore_mem>>) src(%dma_wait3A_536 : memref<64x128xf32, #tpu.memory_space<vmem>>) dst(%dma_wait3A_532 : memref<64x128xf32, #tpu.memory_space<hbm>>)
      %mul3A_537 = arith.constant 64 : i32
      %mul3A_538 = arith.muli %add3A_521, %mul3A_537 : i32
      %add3A_539 = arith.addi %mul3A_2, %mul3A_538 : i32
      %dma_start3A_540 = arith.constant 7 : i32
      %dma_start3A_541 = arith.constant 0 : i32
      %dma_start3A_542 = arith.constant 0 : i32
      %dma_start3A_543 = tpu.memref_slice %arg6[%dma_start3A_540, %dma_start3A_541, %dma_start3A_542] : memref<8x64x128xf32, #tpu.memory_space<vmem>> -> memref<1x64x128xf32, #tpu.memory_space<vmem>>
      %dma_start3A_544 = tpu.memref_squeeze %dma_start3A_543 : memref<1x64x128xf32, #tpu.memory_space<vmem>> -> memref<64x128xf32, #tpu.memory_space<vmem>>
      %dma_start3A_545 = arith.constant 0 : i32
      %dma_start3A_546 = tpu.memref_slice %arg4[%add3A_539, %dma_start3A_545] : memref<819200x128xf32, #tpu.memory_space<hbm>> -> memref<64x128xf32, #tpu.memory_space<hbm>>
      %dma_start3A_547 = arith.constant 0 : i32
      %dma_start3A_548 = tpu.memref_slice %arg4[%add3A_539, %dma_start3A_547] : memref<819200x128xf32, #tpu.memory_space<hbm>> -> memref<64x128xf32, #tpu.memory_space<hbm>>
      %dma_start3A_549 = arith.constant 0 : i32
      %dma_start3A_550 = arith.constant 0 : i32
      %dma_start3A_551 = tpu.memref_slice %arg6[%dma_start3A_540, %dma_start3A_549, %dma_start3A_550] : memref<8x64x128xf32, #tpu.memory_space<vmem>> -> memref<1x64x128xf32, #tpu.memory_space<vmem>>
      %dma_start3A_552 = tpu.memref_squeeze %dma_start3A_551 : memref<1x64x128xf32, #tpu.memory_space<vmem>> -> memref<64x128xf32, #tpu.memory_space<vmem>>
      tpu.enqueue_dma source(%dma_start3A_552 : memref<64x128xf32, #tpu.memory_space<vmem>>) target(%dma_start3A_548 : memref<64x128xf32, #tpu.memory_space<hbm>>) target_semaphore(%arg22 : memref<!tpu.dma_semaphore, #tpu.memory_space<semaphore_mem>>)
      %add3A_553 = arith.constant 5 : i32
      %add3A_554 = arith.addi %add3A_521, %add3A_553 : i32
      %lt3A_555 = arith.constant 400 : i32
      %lt3A_556 = arith.cmpi slt, %add3A_554, %lt3A_555 : i32
      %ge3A_557 = arith.constant 8 : i32
      %ge3A_558 = arith.cmpi sge, %add3A_554, %ge3A_557 : i32
      %and3A_559 = arith.andi %lt3A_556, %ge3A_558 : i1
      %convert_element_type3A_560 = arith.extui %and3A_559 : i1 to i32
      %cond3A_561 = arith.constant 0 : i32
      %cond3A_562 = arith.cmpi ne, %convert_element_type3A_560, %cond3A_561 : i32
      scf.if %cond3A_562 {
        %dma_wait3A_568 = arith.constant 0 : i32
        %dma_wait3A_569 = arith.constant 0 : i32
        %dma_wait3A_570 = arith.constant 0 : i32
        %dma_wait3A_571 = tpu.memref_slice %arg6[%dma_wait3A_568, %dma_wait3A_569, %dma_wait3A_570] : memref<8x64x128xf32, #tpu.memory_space<vmem>> -> memref<1x64x128xf32, #tpu.memory_space<vmem>>
        %dma_wait3A_572 = tpu.memref_squeeze %dma_wait3A_571 : memref<1x64x128xf32, #tpu.memory_space<vmem>> -> memref<64x128xf32, #tpu.memory_space<vmem>>
        %dma_wait3A_573 = arith.constant 0 : i32
        %dma_wait3A_574 = arith.constant 0 : i32
        %dma_wait3A_575 = tpu.memref_slice %arg4[%dma_wait3A_573, %dma_wait3A_574] : memref<819200x128xf32, #tpu.memory_space<hbm>> -> memref<64x128xf32, #tpu.memory_space<hbm>>
        %dma_wait3A_576 = arith.constant 0 : i32
        %dma_wait3A_577 = arith.constant 0 : i32
        %dma_wait3A_578 = tpu.memref_slice %arg4[%dma_wait3A_576, %dma_wait3A_577] : memref<819200x128xf32, #tpu.memory_space<hbm>> -> memref<64x128xf32, #tpu.memory_space<hbm>>
        %dma_wait3A_579 = arith.constant 0 : i32
        %dma_wait3A_580 = arith.constant 0 : i32
        %dma_wait3A_581 = tpu.memref_slice %arg6[%dma_wait3A_568, %dma_wait3A_579, %dma_wait3A_580] : memref<8x64x128xf32, #tpu.memory_space<vmem>> -> memref<1x64x128xf32, #tpu.memory_space<vmem>>
        %dma_wait3A_582 = tpu.memref_squeeze %dma_wait3A_581 : memref<1x64x128xf32, #tpu.memory_space<vmem>> -> memref<64x128xf32, #tpu.memory_space<vmem>>
        tpu.wait_dma2 semaphore(%arg19 : memref<!tpu.dma_semaphore, #tpu.memory_space<semaphore_mem>>) src(%dma_wait3A_582 : memref<64x128xf32, #tpu.memory_space<vmem>>) dst(%dma_wait3A_578 : memref<64x128xf32, #tpu.memory_space<hbm>>)
      } else {
      }
      %lt3A_563 = arith.constant 400 : i32
      %lt3A_564 = arith.cmpi slt, %add3A_554, %lt3A_563 : i32
      %convert_element_type3A_565 = arith.extui %lt3A_564 : i1 to i32
      %cond3A_566 = arith.constant 0 : i32
      %cond3A_567 = arith.cmpi ne, %convert_element_type3A_565, %cond3A_566 : i32
      scf.if %cond3A_567 {
        %dma_start3A_568 = arith.constant 4 : i32
        %dma_start3A_569 = arith.constant 0 : i32
        %dma_start3A_570 = arith.constant 0 : i32
        %dma_start3A_571 = tpu.memref_slice %arg6[%dma_start3A_568, %dma_start3A_569, %dma_start3A_570] : memref<8x64x128xf32, #tpu.memory_space<vmem>> -> memref<1x64x128xf32, #tpu.memory_space<vmem>>
        %dma_start3A_572 = tpu.memref_squeeze %dma_start3A_571 : memref<1x64x128xf32, #tpu.memory_space<vmem>> -> memref<64x128xf32, #tpu.memory_space<vmem>>
        %dma_start3A_573 = arith.constant 0 : i32
        %dma_start3A_574 = tpu.memref_slice %arg5[%add3A_554, %dma_start3A_573] : memref<400x64xi32, #tpu.memory_space<vmem>> -> memref<1x64xi32, #tpu.memory_space<vmem>>
        %dma_start3A_575 = tpu.memref_squeeze %dma_start3A_574 : memref<1x64xi32, #tpu.memory_space<vmem>> -> memref<64xi32, #tpu.memory_space<vmem>>
        %dma_start3A_576 = arith.constant 0 : i32
        %dma_start3A_577 = arith.constant 0 : i32
        %dma_start3A_578 = tpu.memref_slice %arg2[%dma_start3A_576, %dma_start3A_577] : memref<100000x128xf32, #tpu.memory_space<hbm>> -> memref<100000x128xf32, #tpu.memory_space<hbm>>
        tpu.enqueue_indirect_dma source(%dma_start3A_578 : memref<100000x128xf32, #tpu.memory_space<hbm>>) target(%dma_start3A_572 : memref<64x128xf32, #tpu.memory_space<vmem>>) offsets(%dma_start3A_575 : memref<64xi32, #tpu.memory_space<vmem>>) semaphore(%arg11 : memref<!tpu.dma_semaphore, #tpu.memory_space<semaphore_mem>>)
      } else {
      }
    }
    %scan3A_66 = arith.constant 50 : i32
    %dma_wait3A = arith.constant 0 : i32
    %dma_wait3A_67 = arith.constant 0 : i32
    %dma_wait3A_68 = arith.constant 0 : i32
    %dma_wait3A_69 = tpu.memref_slice %arg6[%dma_wait3A, %dma_wait3A_67, %dma_wait3A_68] : memref<8x64x128xf32, #tpu.memory_space<vmem>> -> memref<1x64x128xf32, #tpu.memory_space<vmem>>
    %dma_wait3A_70 = tpu.memref_squeeze %dma_wait3A_69 : memref<1x64x128xf32, #tpu.memory_space<vmem>> -> memref<64x128xf32, #tpu.memory_space<vmem>>
    %dma_wait3A_71 = arith.constant 0 : i32
    %dma_wait3A_72 = arith.constant 0 : i32
    %dma_wait3A_73 = tpu.memref_slice %arg4[%dma_wait3A_71, %dma_wait3A_72] : memref<819200x128xf32, #tpu.memory_space<hbm>> -> memref<64x128xf32, #tpu.memory_space<hbm>>
    %dma_wait3A_74 = arith.constant 0 : i32
    %dma_wait3A_75 = arith.constant 0 : i32
    %dma_wait3A_76 = tpu.memref_slice %arg4[%dma_wait3A_74, %dma_wait3A_75] : memref<819200x128xf32, #tpu.memory_space<hbm>> -> memref<64x128xf32, #tpu.memory_space<hbm>>
    %dma_wait3A_77 = arith.constant 0 : i32
    %dma_wait3A_78 = arith.constant 0 : i32
    %dma_wait3A_79 = tpu.memref_slice %arg6[%dma_wait3A, %dma_wait3A_77, %dma_wait3A_78] : memref<8x64x128xf32, #tpu.memory_space<vmem>> -> memref<1x64x128xf32, #tpu.memory_space<vmem>>
    %dma_wait3A_80 = tpu.memref_squeeze %dma_wait3A_79 : memref<1x64x128xf32, #tpu.memory_space<vmem>> -> memref<64x128xf32, #tpu.memory_space<vmem>>
    tpu.wait_dma2 semaphore(%arg15 : memref<!tpu.dma_semaphore, #tpu.memory_space<semaphore_mem>>) src(%dma_wait3A_80 : memref<64x128xf32, #tpu.memory_space<vmem>>) dst(%dma_wait3A_76 : memref<64x128xf32, #tpu.memory_space<hbm>>)
    %dma_wait3A_81 = arith.constant 0 : i32
    %dma_wait3A_82 = arith.constant 0 : i32
    %dma_wait3A_83 = arith.constant 0 : i32
    %dma_wait3A_84 = tpu.memref_slice %arg6[%dma_wait3A_81, %dma_wait3A_82, %dma_wait3A_83] : memref<8x64x128xf32, #tpu.memory_space<vmem>> -> memref<1x64x128xf32, #tpu.memory_space<vmem>>
    %dma_wait3A_85 = tpu.memref_squeeze %dma_wait3A_84 : memref<1x64x128xf32, #tpu.memory_space<vmem>> -> memref<64x128xf32, #tpu.memory_space<vmem>>
    %dma_wait3A_86 = arith.constant 0 : i32
    %dma_wait3A_87 = arith.constant 0 : i32
    %dma_wait3A_88 = tpu.memref_slice %arg4[%dma_wait3A_86, %dma_wait3A_87] : memref<819200x128xf32, #tpu.memory_space<hbm>> -> memref<64x128xf32, #tpu.memory_space<hbm>>
    %dma_wait3A_89 = arith.constant 0 : i32
    %dma_wait3A_90 = arith.constant 0 : i32
    %dma_wait3A_91 = tpu.memref_slice %arg4[%dma_wait3A_89, %dma_wait3A_90] : memref<819200x128xf32, #tpu.memory_space<hbm>> -> memref<64x128xf32, #tpu.memory_space<hbm>>
    %dma_wait3A_92 = arith.constant 0 : i32
    %dma_wait3A_93 = arith.constant 0 : i32
    %dma_wait3A_94 = tpu.memref_slice %arg6[%dma_wait3A_81, %dma_wait3A_92, %dma_wait3A_93] : memref<8x64x128xf32, #tpu.memory_space<vmem>> -> memref<1x64x128xf32, #tpu.memory_space<vmem>>
    %dma_wait3A_95 = tpu.memref_squeeze %dma_wait3A_94 : memref<1x64x128xf32, #tpu.memory_space<vmem>> -> memref<64x128xf32, #tpu.memory_space<vmem>>
    tpu.wait_dma2 semaphore(%arg16 : memref<!tpu.dma_semaphore, #tpu.memory_space<semaphore_mem>>) src(%dma_wait3A_95 : memref<64x128xf32, #tpu.memory_space<vmem>>) dst(%dma_wait3A_91 : memref<64x128xf32, #tpu.memory_space<hbm>>)
    %dma_wait3A_96 = arith.constant 0 : i32
    %dma_wait3A_97 = arith.constant 0 : i32
    %dma_wait3A_98 = arith.constant 0 : i32
    %dma_wait3A_99 = tpu.memref_slice %arg6[%dma_wait3A_96, %dma_wait3A_97, %dma_wait3A_98] : memref<8x64x128xf32, #tpu.memory_space<vmem>> -> memref<1x64x128xf32, #tpu.memory_space<vmem>>
    %dma_wait3A_100 = tpu.memref_squeeze %dma_wait3A_99 : memref<1x64x128xf32, #tpu.memory_space<vmem>> -> memref<64x128xf32, #tpu.memory_space<vmem>>
    %dma_wait3A_101 = arith.constant 0 : i32
    %dma_wait3A_102 = arith.constant 0 : i32
    %dma_wait3A_103 = tpu.memref_slice %arg4[%dma_wait3A_101, %dma_wait3A_102] : memref<819200x128xf32, #tpu.memory_space<hbm>> -> memref<64x128xf32, #tpu.memory_space<hbm>>
    %dma_wait3A_104 = arith.constant 0 : i32
    %dma_wait3A_105 = arith.constant 0 : i32
    %dma_wait3A_106 = tpu.memref_slice %arg4[%dma_wait3A_104, %dma_wait3A_105] : memref<819200x128xf32, #tpu.memory_space<hbm>> -> memref<64x128xf32, #tpu.memory_space<hbm>>
    %dma_wait3A_107 = arith.constant 0 : i32
    %dma_wait3A_108 = arith.constant 0 : i32
    %dma_wait3A_109 = tpu.memref_slice %arg6[%dma_wait3A_96, %dma_wait3A_107, %dma_wait3A_108] : memref<8x64x128xf32, #tpu.memory_space<vmem>> -> memref<1x64x128xf32, #tpu.memory_space<vmem>>
    %dma_wait3A_110 = tpu.memref_squeeze %dma_wait3A_109 : memref<1x64x128xf32, #tpu.memory_space<vmem>> -> memref<64x128xf32, #tpu.memory_space<vmem>>
    tpu.wait_dma2 semaphore(%arg17 : memref<!tpu.dma_semaphore, #tpu.memory_space<semaphore_mem>>) src(%dma_wait3A_110 : memref<64x128xf32, #tpu.memory_space<vmem>>) dst(%dma_wait3A_106 : memref<64x128xf32, #tpu.memory_space<hbm>>)
    %dma_wait3A_111 = arith.constant 0 : i32
    %dma_wait3A_112 = arith.constant 0 : i32
    %dma_wait3A_113 = arith.constant 0 : i32
    %dma_wait3A_114 = tpu.memref_slice %arg6[%dma_wait3A_111, %dma_wait3A_112, %dma_wait3A_113] : memref<8x64x128xf32, #tpu.memory_space<vmem>> -> memref<1x64x128xf32, #tpu.memory_space<vmem>>
    %dma_wait3A_115 = tpu.memref_squeeze %dma_wait3A_114 : memref<1x64x128xf32, #tpu.memory_space<vmem>> -> memref<64x128xf32, #tpu.memory_space<vmem>>
    %dma_wait3A_116 = arith.constant 0 : i32
    %dma_wait3A_117 = arith.constant 0 : i32
    %dma_wait3A_118 = tpu.memref_slice %arg4[%dma_wait3A_116, %dma_wait3A_117] : memref<819200x128xf32, #tpu.memory_space<hbm>> -> memref<64x128xf32, #tpu.memory_space<hbm>>
    %dma_wait3A_119 = arith.constant 0 : i32
    %dma_wait3A_120 = arith.constant 0 : i32
    %dma_wait3A_121 = tpu.memref_slice %arg4[%dma_wait3A_119, %dma_wait3A_120] : memref<819200x128xf32, #tpu.memory_space<hbm>> -> memref<64x128xf32, #tpu.memory_space<hbm>>
    %dma_wait3A_122 = arith.constant 0 : i32
    %dma_wait3A_123 = arith.constant 0 : i32
    %dma_wait3A_124 = tpu.memref_slice %arg6[%dma_wait3A_111, %dma_wait3A_122, %dma_wait3A_123] : memref<8x64x128xf32, #tpu.memory_space<vmem>> -> memref<1x64x128xf32, #tpu.memory_space<vmem>>
    %dma_wait3A_125 = tpu.memref_squeeze %dma_wait3A_124 : memref<1x64x128xf32, #tpu.memory_space<vmem>> -> memref<64x128xf32, #tpu.memory_space<vmem>>
    tpu.wait_dma2 semaphore(%arg18 : memref<!tpu.dma_semaphore, #tpu.memory_space<semaphore_mem>>) src(%dma_wait3A_125 : memref<64x128xf32, #tpu.memory_space<vmem>>) dst(%dma_wait3A_121 : memref<64x128xf32, #tpu.memory_space<hbm>>)
    %dma_wait3A_126 = arith.constant 0 : i32
    %dma_wait3A_127 = arith.constant 0 : i32
    %dma_wait3A_128 = arith.constant 0 : i32
    %dma_wait3A_129 = tpu.memref_slice %arg6[%dma_wait3A_126, %dma_wait3A_127, %dma_wait3A_128] : memref<8x64x128xf32, #tpu.memory_space<vmem>> -> memref<1x64x128xf32, #tpu.memory_space<vmem>>
    %dma_wait3A_130 = tpu.memref_squeeze %dma_wait3A_129 : memref<1x64x128xf32, #tpu.memory_space<vmem>> -> memref<64x128xf32, #tpu.memory_space<vmem>>
    %dma_wait3A_131 = arith.constant 0 : i32
    %dma_wait3A_132 = arith.constant 0 : i32
    %dma_wait3A_133 = tpu.memref_slice %arg4[%dma_wait3A_131, %dma_wait3A_132] : memref<819200x128xf32, #tpu.memory_space<hbm>> -> memref<64x128xf32, #tpu.memory_space<hbm>>
    %dma_wait3A_134 = arith.constant 0 : i32
    %dma_wait3A_135 = arith.constant 0 : i32
    %dma_wait3A_136 = tpu.memref_slice %arg4[%dma_wait3A_134, %dma_wait3A_135] : memref<819200x128xf32, #tpu.memory_space<hbm>> -> memref<64x128xf32, #tpu.memory_space<hbm>>
    %dma_wait3A_137 = arith.constant 0 : i32
    %dma_wait3A_138 = arith.constant 0 : i32
    %dma_wait3A_139 = tpu.memref_slice %arg6[%dma_wait3A_126, %dma_wait3A_137, %dma_wait3A_138] : memref<8x64x128xf32, #tpu.memory_space<vmem>> -> memref<1x64x128xf32, #tpu.memory_space<vmem>>
    %dma_wait3A_140 = tpu.memref_squeeze %dma_wait3A_139 : memref<1x64x128xf32, #tpu.memory_space<vmem>> -> memref<64x128xf32, #tpu.memory_space<vmem>>
    tpu.wait_dma2 semaphore(%arg19 : memref<!tpu.dma_semaphore, #tpu.memory_space<semaphore_mem>>) src(%dma_wait3A_140 : memref<64x128xf32, #tpu.memory_space<vmem>>) dst(%dma_wait3A_136 : memref<64x128xf32, #tpu.memory_space<hbm>>)
    %dma_wait3A_141 = arith.constant 0 : i32
    %dma_wait3A_142 = arith.constant 0 : i32
    %dma_wait3A_143 = arith.constant 0 : i32
    %dma_wait3A_144 = tpu.memref_slice %arg6[%dma_wait3A_141, %dma_wait3A_142, %dma_wait3A_143] : memref<8x64x128xf32, #tpu.memory_space<vmem>> -> memref<1x64x128xf32, #tpu.memory_space<vmem>>
    %dma_wait3A_145 = tpu.memref_squeeze %dma_wait3A_144 : memref<1x64x128xf32, #tpu.memory_space<vmem>> -> memref<64x128xf32, #tpu.memory_space<vmem>>
    %dma_wait3A_146 = arith.constant 0 : i32
    %dma_wait3A_147 = arith.constant 0 : i32
    %dma_wait3A_148 = tpu.memref_slice %arg4[%dma_wait3A_146, %dma_wait3A_147] : memref<819200x128xf32, #tpu.memory_space<hbm>> -> memref<64x128xf32, #tpu.memory_space<hbm>>
    %dma_wait3A_149 = arith.constant 0 : i32
    %dma_wait3A_150 = arith.constant 0 : i32
    %dma_wait3A_151 = tpu.memref_slice %arg4[%dma_wait3A_149, %dma_wait3A_150] : memref<819200x128xf32, #tpu.memory_space<hbm>> -> memref<64x128xf32, #tpu.memory_space<hbm>>
    %dma_wait3A_152 = arith.constant 0 : i32
    %dma_wait3A_153 = arith.constant 0 : i32
    %dma_wait3A_154 = tpu.memref_slice %arg6[%dma_wait3A_141, %dma_wait3A_152, %dma_wait3A_153] : memref<8x64x128xf32, #tpu.memory_space<vmem>> -> memref<1x64x128xf32, #tpu.memory_space<vmem>>
    %dma_wait3A_155 = tpu.memref_squeeze %dma_wait3A_154 : memref<1x64x128xf32, #tpu.memory_space<vmem>> -> memref<64x128xf32, #tpu.memory_space<vmem>>
    tpu.wait_dma2 semaphore(%arg20 : memref<!tpu.dma_semaphore, #tpu.memory_space<semaphore_mem>>) src(%dma_wait3A_155 : memref<64x128xf32, #tpu.memory_space<vmem>>) dst(%dma_wait3A_151 : memref<64x128xf32, #tpu.memory_space<hbm>>)
    %dma_wait3A_156 = arith.constant 0 : i32
    %dma_wait3A_157 = arith.constant 0 : i32
    %dma_wait3A_158 = arith.constant 0 : i32
    %dma_wait3A_159 = tpu.memref_slice %arg6[%dma_wait3A_156, %dma_wait3A_157, %dma_wait3A_158] : memref<8x64x128xf32, #tpu.memory_space<vmem>> -> memref<1x64x128xf32, #tpu.memory_space<vmem>>
    %dma_wait3A_160 = tpu.memref_squeeze %dma_wait3A_159 : memref<1x64x128xf32, #tpu.memory_space<vmem>> -> memref<64x128xf32, #tpu.memory_space<vmem>>
    %dma_wait3A_161 = arith.constant 0 : i32
    %dma_wait3A_162 = arith.constant 0 : i32
    %dma_wait3A_163 = tpu.memref_slice %arg4[%dma_wait3A_161, %dma_wait3A_162] : memref<819200x128xf32, #tpu.memory_space<hbm>> -> memref<64x128xf32, #tpu.memory_space<hbm>>
    %dma_wait3A_164 = arith.constant 0 : i32
    %dma_wait3A_165 = arith.constant 0 : i32
    %dma_wait3A_166 = tpu.memref_slice %arg4[%dma_wait3A_164, %dma_wait3A_165] : memref<819200x128xf32, #tpu.memory_space<hbm>> -> memref<64x128xf32, #tpu.memory_space<hbm>>
    %dma_wait3A_167 = arith.constant 0 : i32
    %dma_wait3A_168 = arith.constant 0 : i32
    %dma_wait3A_169 = tpu.memref_slice %arg6[%dma_wait3A_156, %dma_wait3A_167, %dma_wait3A_168] : memref<8x64x128xf32, #tpu.memory_space<vmem>> -> memref<1x64x128xf32, #tpu.memory_space<vmem>>
    %dma_wait3A_170 = tpu.memref_squeeze %dma_wait3A_169 : memref<1x64x128xf32, #tpu.memory_space<vmem>> -> memref<64x128xf32, #tpu.memory_space<vmem>>
    tpu.wait_dma2 semaphore(%arg21 : memref<!tpu.dma_semaphore, #tpu.memory_space<semaphore_mem>>) src(%dma_wait3A_170 : memref<64x128xf32, #tpu.memory_space<vmem>>) dst(%dma_wait3A_166 : memref<64x128xf32, #tpu.memory_space<hbm>>)
    %dma_wait3A_171 = arith.constant 0 : i32
    %dma_wait3A_172 = arith.constant 0 : i32
    %dma_wait3A_173 = arith.constant 0 : i32
    %dma_wait3A_174 = tpu.memref_slice %arg6[%dma_wait3A_171, %dma_wait3A_172, %dma_wait3A_173] : memref<8x64x128xf32, #tpu.memory_space<vmem>> -> memref<1x64x128xf32, #tpu.memory_space<vmem>>
    %dma_wait3A_175 = tpu.memref_squeeze %dma_wait3A_174 : memref<1x64x128xf32, #tpu.memory_space<vmem>> -> memref<64x128xf32, #tpu.memory_space<vmem>>
    %dma_wait3A_176 = arith.constant 0 : i32
    %dma_wait3A_177 = arith.constant 0 : i32
    %dma_wait3A_178 = tpu.memref_slice %arg4[%dma_wait3A_176, %dma_wait3A_177] : memref<819200x128xf32, #tpu.memory_space<hbm>> -> memref<64x128xf32, #tpu.memory_space<hbm>>
    %dma_wait3A_179 = arith.constant 0 : i32
    %dma_wait3A_180 = arith.constant 0 : i32
    %dma_wait3A_181 = tpu.memref_slice %arg4[%dma_wait3A_179, %dma_wait3A_180] : memref<819200x128xf32, #tpu.memory_space<hbm>> -> memref<64x128xf32, #tpu.memory_space<hbm>>
    %dma_wait3A_182 = arith.constant 0 : i32
    %dma_wait3A_183 = arith.constant 0 : i32
    %dma_wait3A_184 = tpu.memref_slice %arg6[%dma_wait3A_171, %dma_wait3A_182, %dma_wait3A_183] : memref<8x64x128xf32, #tpu.memory_space<vmem>> -> memref<1x64x128xf32, #tpu.memory_space<vmem>>
    %dma_wait3A_185 = tpu.memref_squeeze %dma_wait3A_184 : memref<1x64x128xf32, #tpu.memory_space<vmem>> -> memref<64x128xf32, #tpu.memory_space<vmem>>
    tpu.wait_dma2 semaphore(%arg22 : memref<!tpu.dma_semaphore, #tpu.memory_space<semaphore_mem>>) src(%dma_wait3A_185 : memref<64x128xf32, #tpu.memory_space<vmem>>) dst(%dma_wait3A_181 : memref<64x128xf32, #tpu.memory_space<hbm>>)
    return
  }
}

</mosaic_0001>

<sc_bundles>
// kernel: kernel.3.cloned.1.call-start
scs
__scs_entry_jumppad:
0x0: {  	(pc) =	sbr.rel $0x88, $3  }
0x1: {  	(tag) =	ssettag $0x0;
	lr =	simm.s32 $0x1  }
0x2: {  	[smem:$0x3F9F] =	sst lr;
	_ =	strace $0xD0000000  }
0x3: {  	_ = 	snop  }
0x4: {  	_ = 	snop  }
0x5: {  	_ = 	snop  }
0x6: {  	_ = 	snop  }
0x7: {  	_ = 	snop  }
__scs_overlays_trampoline_lowered:
0x8: {  	[smem:$0x3FAE] =	sst s0  }
0x9: {  	[smem:$0x3FAF] =	sst s1  }
0xa: {  	[smem:$0x3FB0] =	sst s2  }
0xb: {  	[smem:$0x3FB1] =	sst s3  }
0xc: {  	[smem:$0x3FB2] =	sst s4  }
0xd: {  	[smem:$0x3FB3] =	sst s5  }
0xe: {  	[smem:$0x3FB4] =	sst s6  }
0xf: {  	[smem:$0x3FB5] =	sst s7  }
0x10: {  	[smem:$0x3FB6] =	sst s8  }
0x11: {  	[smem:$0x3FB7] =	sst s9;
	s0 =	simm.s32 @!p0 $0x0  }
0x12: {  	s1 =	sld [smem:$0x3F9D];
	s0 =	simm.s32 @p0 $0x1  }
0x13: {  	[smem:$0x3FB8] =	sst s0;
	s0 =	simm.s32 @!p1 $0x0  }
0x14: {  	s2 =	sld [smem:$0x3F9C];
	s0 =	simm.s32 @p1 $0x1  }
0x15: {  	[smem:$0x3FB9] =	sst s0;
	s0 =	simm.s32 @!p2 $0x0  }
0x16: {  	s3 =	sld [smem:$0x3FDB];
	s0 =	simm.s32 @p2 $0x1  }
0x17: {  	s4 =	simm.s32 $0x1BF5;
	[smem:$0x3FBB] =	sst s0  }
0x18: {  	s0 =	sld [smem:$0x3F9E];
	_ =	swait.ge [sflag:s4], $0x0  }
0x19: {  	s7 =	sld [smem:$0x3F9F]  }
0x1a: {  	s8 =	sadd.s32 $0xFFFFE003, lr  }
0x1b: {  	s9 =	sadd.s32 $0xFFFFFEF7, lr;
	s5 =	simm.s32 $0xFFFFFFFF;
	p2 =	slt.u32 s8, $0xFFFFF086  }
0x1c: {  	p1 =	slt.u32 s9, $0xF7A;
	s5 =	simm.s32 @!p2 $0x0  }
0x1d: {  	s5 =	simm.s32 @p1 $0x1;
	p0 =	seq.s32 s7, s2  }
0x1e: {  	s7 =	smul.u32 @!p0 $0xF7A, s2;
	p2 =	seq.s32 @!p0 s5, $0x0  }
0x1f: {  	s9 =	smul.u32 $0xF7A, s1;
	s8 =	simm.s32 @!p0 $0x1BF5;
	p2 =	por !p2, p0  }
0x20: {  	[sflag:s8] =	ssyncset.s32 @!p0 $0xFFFFF086;
	s6 =	sadd.s32 @!p0 s3, s7;
	s7 =	simm.s32 @!p0 $0x108  }
0x21: {  	s3 =	sadd.s32 s3, s9;
	s6 =	sadd.s32 @!p0 $0x88, s6;
	s7 =	simm.s32 @p2 $0x1082  }
0x22: {  	[simem:s7], [sflag:s8] =	dma.local @!p0 [hbm:s6], $0xF7A  }
0x23: {  	s9 =	sor.u32 $0xD0000000, s2;
	s6 =	simm.s32 $0x108;
	_ =	swait.ge @!p0 [sflag:s8], $0x0  }
0x24: {  	s3 =	sadd.s32 $0x88, s3;
	s6 =	simm.s32 @!p1 $0x1082;
	[sflag:s4] =	ssyncset.s32 $0xFFFFF086  }
0x25: {  	[simem:s6], [sflag:s4] =	dma.local [hbm:s3], $0xF7A  }
0x26: {  	[smem:$0x3F9F] =	sst s1;
	(tag) =	ssettag s2;
	_ =	strace s9  }
0x27: {  	s1 =	sld [smem:$0x3FAF]  }
0x28: {  	s2 =	sld [smem:$0x3FB0]  }
0x29: {  	s4 =	sld [smem:$0x3FB2]  }
0x2a: {  	p0 =	seq.s32 s5, $0x0;
	s5 =	sld [smem:$0x3FB3]  }
0x2b: {  	s6 =	sld [smem:$0x3FB4]  }
0x2c: {  	s7 =	sld [smem:$0x3FB5]  }
0x2d: {  	s3 =	simm.s32 $0x108;
	s8 =	sld [smem:$0x3FB6]  }
0x2e: {  	s3 =	simm.s32 @!p0 $0x1082;
	s9 =	sld [smem:$0x3FB7]  }
0x2f: {  	lr =	sadd.s32 s0, s3;
	s0 =	sld [smem:$0x3FAE]  }
0x30: {  	s3 =	sld [smem:$0x3FB1]  }
0x31: {  	[smem:$0x3FBA] =	sst s10  }
0x32: {  	s10 =	sld [smem:$0x3FB8];
	_ =	sdelay $0x3  }
0x33: {  	p0 =	seq.s32 s10, $0x1;
	s10 =	sld [smem:$0x3FBA];
	_ =	sdelay $0x3  }
0x34: {  	[smem:$0x3FBA] =	sst s10  }
0x35: {  	s10 =	sld [smem:$0x3FB9];
	_ =	sdelay $0x3  }
0x36: {  	p1 =	seq.s32 s10, $0x1;
	s10 =	sld [smem:$0x3FBA];
	_ =	sdelay $0x3  }
0x37: {  	[smem:$0x3FBA] =	sst s10  }
0x38: {  	s10 =	sld [smem:$0x3FBB]  }
0x39: {  	_ = 	snop;
	(pc) =	sbr.ind lr, $3  }
0x3a: {  	_ = 	snop  }
0x3b: {  	_ = 	snop  }
0x3c: {  	p2 =	seq.s32 s10, $0x1;
	s10 =	sld [smem:$0x3FBA]  }
0x3d: {  	_ =	shalt  }
0x3e: {  	_ =	shalt  }
0x3f: {  	_ =	shalt  }
0x40: {  	_ =	shalt  }
0x41: {  	_ =	shalt  }
0x42: {  	_ =	shalt  }
0x43: {  	_ =	shalt  }
0x44: {  	_ =	shalt  }
0x45: {  	_ =	shalt  }
0x46: {  	_ =	shalt  }
0x47: {  	_ =	shalt  }
0x48: {  	_ =	shalt  }
0x49: {  	_ =	shalt  }
0x4a: {  	_ =	shalt  }
0x4b: {  	_ =	shalt  }
0x4c: {  	_ =	shalt  }
0x4d: {  	_ =	shalt  }
0x4e: {  	_ =	shalt  }
0x4f: {  	_ =	shalt  }
0x50: {  	_ =	shalt  }
0x51: {  	_ =	shalt  }
0x52: {  	_ =	shalt  }
0x53: {  	_ =	shalt  }
0x54: {  	_ =	shalt  }
0x55: {  	_ =	shalt  }
0x56: {  	_ =	shalt  }
0x57: {  	_ =	shalt  }
0x58: {  	_ =	shalt  }
0x59: {  	_ =	shalt  }
0x5a: {  	_ =	shalt  }
0x5b: {  	_ =	shalt  }
0x5c: {  	_ =	shalt  }
0x5d: {  	_ =	shalt  }
0x5e: {  	_ =	shalt  }
0x5f: {  	_ =	shalt  }
0x60: {  	_ =	shalt  }
0x61: {  	_ =	shalt  }
0x62: {  	_ =	shalt  }
0x63: {  	_ =	shalt  }
0x64: {  	_ =	shalt  }
0x65: {  	_ =	shalt  }
0x66: {  	_ =	shalt  }
0x67: {  	_ =	shalt  }
0x68: {  	_ =	shalt  }
0x69: {  	_ =	shalt  }
0x6a: {  	_ =	shalt  }
0x6b: {  	_ =	shalt  }
0x6c: {  	_ =	shalt  }
0x6d: {  	_ =	shalt  }
0x6e: {  	_ =	shalt  }
0x6f: {  	_ =	shalt  }
0x70: {  	_ =	shalt  }
0x71: {  	_ =	shalt  }
0x72: {  	_ =	shalt  }
0x73: {  	_ =	shalt  }
0x74: {  	_ =	shalt  }
0x75: {  	_ =	shalt  }
0x76: {  	_ =	shalt  }
0x77: {  	_ =	shalt  }
0x78: {  	_ =	shalt  }
0x79: {  	_ =	shalt  }
0x7a: {  	_ =	shalt  }
0x7b: {  	_ =	shalt  }
0x7c: {  	_ =	shalt  }
0x7d: {  	_ =	shalt  }
0x7e: {  	_ =	shalt  }
0x7f: {  	_ =	shalt  }
0x80: {  	_ =	shalt  }
0x81: {  	_ =	shalt  }
0x82: {  	_ =	shalt  }
0x83: {  	_ =	shalt  }
0x84: {  	_ =	shalt  }
0x85: {  	_ =	shalt  }
0x86: {  	_ =	shalt  }
0x87: {  	_ =	shalt  }
.Lfunc_end0:
.L_simem_size_0:
called_computation_lowered:
.L_overlay_start_0:
0x88: {  	s2 =	sld [smem:$0x3FD9]  }
0x89: {  	s3 =	sld [smem:$0x3FFE];
	_ =	sdelay $0x1  }
0x8a: {  	s1 =	srdreg.scid  }
0x8b: {  	s0 =	sand.u32 $0x1, s1  }
0x8c: {  	s17 =	sshll.u32 s0, $0xA;
	s2 =	sadd.s32 s3, s2  }
0x8d: {  	s2 =	sadd.s32 s2, s17  }
0x8e: {  	[smem:$0x3FC6] =	sst s2  }
0x8f: {  	_ = 	snop  }
0x90: {  	s2 =	sld [smem:$0x3FC8]  }
0x91: {  	s18 =	sld [smem:$0x3FD0];
	(tm) =	ssettm $0x1  }
0x92: {  	s4 =	sld [smem:$0x3FFB];
	_ =	sdelay $0x3  }
0x93: {  	_ =	strace s4  }
0x94: {  	s4 =	sld [smem:$0x3FFC];
	_ =	sdelay $0x3  }
0x95: {  	_ =	strace s4  }
0x96: {  	s4 =	sld [smem:$0x3FFD];
	_ =	sdelay $0x3  }
0x97: {  	_ =	strace s4  }
0x98: {  	_ =	strace $0x8FFFFFFF  }
0x99: {  	s19 =	sld [smem:$0x3FDB];
	_ =	sdelay $0x1  }
0x9a: {  	s5 =	simm.s32 $_scs_section_size  }
0x9b: {  	s6 =	simm.s32 $_size__tile_overlayer_lowered;
	s7 =	simm.s32 $_tile_overlayer_lowered  }
0x9c: {  	s22 =	simm.s32 $0x1BFF;
	s21 =	sshll.u32 s7, $0x1;
	s4 =	sadd.s32 s5, s19  }
0x9d: {  	s8 =	simm.s32 $0x0;
	s20 =	sshll.u32 s6, $0x1;
	s6 =	sadd.s32 s21, s4  }
0x9e: {  	[timem:s8], [sflag:s22] =	dma.local [hbm:s6], s20  }
0x9f: {  	_ =	swait.ge [sflag:s22], s20  }
0xa0: {  	s5 =	ssub.s32 $0x0, s20;
	[sflag:s22] =	ssyncset.done $0x0  }
0xa1: {  	[sflag:s22] =	ssyncadd.s32 s5;
	_ =	sdelay $0x1  }
0xa2: {  	s23 =	simm.s32 $0x1B8B  }
0xa3: {  	_ =	swait.ge [sflag:s23], $0x1  }
0xa4: {  	[sflag:s23] =	ssyncset.done $0x0  }
0xa5: {  	s25 =	simm.s32 $0x1B8E;
	s24 =	sld [smem:$0x3FFE];
	[sflag:s23] =	ssyncadd.s32 $0xFFFFFFFF  }
0xa6: {  	s26 =	simm.s32 $execute0_lowered;
	[smem:$0x3FD2] =	sst s25  }
0xa7: {  	s6 =	sshll.u32 s26, $0x1;
	_ =	strace $0x80000046;
	[dreg:$0x1] =	wrdreg $0xFFFFFFFF  }
0xa8: {  	s28 =	simm.s32 $_size_execute0_lowered;
	s4 =	sadd.s32 s4, s6;
	[dreg:$0x0] =	wrdreg $0x0  }
0xa9: {  	s6 =	sshll.u32 s28, $0x1;
	[dreg:$0x2] =	wrdreg s4  }
0xaa: {  	[dreg:$0x3] =	wrdreg s6  }
0xab: {  	[dreg:$0x4] =	wrdreg $0xC0  }
0xac: {  	_ =	task [dreg:s8], $0x5FFFF  }
0xad: {  	[dreg:$0x1] =	wrdreg $0xFFFFFFFF  }
0xae: {  	[dreg:$0x0] =	wrdreg $0x60  }
0xaf: {  	[dreg:$0x2] =	wrdreg s2  }
0xb0: {  	[dreg:$0x3] =	wrdreg s24  }
0xb1: {  	[dreg:$0x4] =	wrdreg s18  }
0xb2: {  	[dreg:$0x5] =	wrdreg $0x9  }
0xb3: {  	_ =	task.clear_ibuf [dreg:s8], $0x6FFFF;
	_ =	strace $0x90000046  }
0xb4: {  	s29 =	simm.s32 $0x9;
	_ =	strace $0x80000048  }
0xb5: {  	_ =	swait.ge [sflag:s29], $0x1  }
0xb6: {  	[sflag:s29] =	ssyncadd.s32 $0xFFFFFFFF  }
0xb7: {  	_ =	strace $0x90000048  }
0xb8: {  	_ =	sfence  }
0xb9: {  	s30 =	sld [smem:$0x0];
	_ =	sdelay $0x2  }
0xba: {  	s31 =	sshll.u32 s1, $0xD;
	s1 =	sshrl.u32 s1, $0x2  }
0xbb: {  	s3 =	sand.u32 $0x4000, s31;
	s1 =	sadd.s32 s1, s30  }
0xbc: {  	s0 =	sor.u32 s3, s0;
	s1 =	sshll.u32 s1, $0x11  }
0xbd: {  	s0 =	sor.u32 s1, s0  }
0xbe: {  	s0 =	sadd.s32 $0x8F2B, s0  }
0xbf: {  	[sflag:s0] =	ssyncadd.remote.s32 $0x1  }
0xc0: {  	_ =	sfence.sel $0xFFFF  }
0xc1: {  	[dreg:$0x0] =	wrdreg $0xFFFFFFFF;
	(pc) =	sbr.abs _section_cstart, $3  }
0xc2: {  	[dreg:$0x1] =	wrdreg $0xFFFFFFFF  }
0xc3: {  	_ =	task.clear_ibuf [dreg:s8], $0x2FFFF;
	_ =	strace $0x9FFFFFFF  }
0xc4: {  	(tm) =	ssettm $0x7FFFFFFF  }
0xc5: {  	_ =	shalt  }
tec
execute0_lowered:
.L_overlay_start_1:
0x0: {  	(tag) =	ssettag $0x1  }
0x1: {  	s0 =	srdreg.scid;
	s1 =	rddreg [dreg:$0x0]  }
0x2: {  	s9 =	stileid.u32;
	s3 =	rddreg [dreg:$0x1]  }
0x3: {  	s10 =	rddreg [dreg:$0x2];
	s4 =	simm.s32 $0x0;
	s14 =	simm.s32 $0x40  }
0x4: {  	s19 =	simm.s32 $0x10800;
	s21 =	simm.s32 $0x12800;
	s28 =	simm.s32 $0x18800  }
0x5: {  	s29 =	simm.s32 $0x3;
	s30 =	simm.s32 $0x1A800;
	s6 =	smul.u32 $0x640000, s9  }
0x6: {  	s0 =	sand.u32 $0x1, s0;
	s2 =	sshll.u32 s9, $0x1;
	s9 =	smul.u32 $0xC8000, s9  }
0x7: {  	s31 =	simm.s32 $0x4;
	[smem:$0x7FF] =	sst s4;
	s8 =	smul.u32 $0x320000, s0  }
0x8: {  	s2 =	sor.u32 s0, s2;
	s7 =	ssub.s32 $0x2, s0;
	s0 =	smul.u32 $0x64000, s0  }
0x9: {  	s15 =	simm.s32 $0x0;
	_ =	strace $0x80000047;
	s5 =	smul.u32 $0x1900, s2  }
0xa: {  	s2 =	smul.u32 $0x64000, s2;
	s22 =	sshrl.u32 s7, $0x1;
	s24 =	sadd.s32 s8, s6  }
0xb: {  	s9 =	sadd.s32 s0, s9;
	s0 =	simm.s32 $0x7;
	s3 =	sadd.s32 s5, s3  }
0xc: {  	s5 =	ssub.s32 s7, s22;
	s2 =	sadd.s32 s10, s2;
	s8 =	sshrl.u32 s24, $0x3  }
0xd: {  	s25 =	sor.u32 $0xE000, s24;
	s26 =	sor.u32 $0xC000, s24;
	s3 =	sadd.s32 $0x400, s3  }
.Ltmp0:
0xe: {  	s23 =	smax.u32 s5, $0x1;
	s7 =	sadd.s32 $0x63000, s2;
	(pc) =	sbr.rel .LBB2_1-.Ltmp0, $4  }
0xf: {  	s10 =	sshrl.u32 s25, $0x3;
	s11 =	sshrl.u32 s26, $0x3;
	s25 =	simm.s32 $0x16800  }
0x10: {  	s26 =	simm.s32 $0x2;
	s2 =	simm.s32 $0x6;
	[dreg:$0x4] =	wrdreg s3  }
0x11: {  	s5 =	simm.s32 $0xD;
	[dreg:$0x5] =	wrdreg s23;
	s3 =	sor.u32 $0xA000, s24  }
0x12: {  	s24 =	simm.s32 $0x1;
	s12 =	sshrl.u32 s3, $0x3;
	s3 =	simm.s32 $0x8  }
.LBB2_4:
0x13: {  	s6 =	simm.s32 $0x9  }
0x14: {  	_ =	swait.ge [sflag:s6], $0x2000  }
0x15: {  	[sflag:s6] =	ssyncset.done $0x0  }
0x16: {  	s16 =	simm.s32 $0xA;
	[sflag:s6] =	ssyncadd.s32 $0xFFFFE000  }
0x17: {  	_ =	swait.ge [sflag:s16], $0x2000  }
0x18: {  	[sflag:s16] =	ssyncset.done $0x0  }
0x19: {  	s17 =	simm.s32 $0xB;
	[sflag:s16] =	ssyncadd.s32 $0xFFFFE000  }
0x1a: {  	_ =	swait.ge [sflag:s17], $0x2000  }
0x1b: {  	[sflag:s17] =	ssyncset.done $0x0  }
0x1c: {  	s18 =	simm.s32 $0xC;
	[sflag:s17] =	ssyncadd.s32 $0xFFFFE000  }
0x1d: {  	_ =	swait.ge [sflag:s18], $0x2000  }
0x1e: {  	[sflag:s18] =	ssyncset.done $0x0  }
0x1f: {  	[sflag:s18] =	ssyncadd.s32 $0xFFFFE000  }
0x20: {  	_ =	swait.ge [sflag:s5], $0x2000  }
0x21: {  	[sflag:s5] =	ssyncset.done $0x0  }
0x22: {  	s20 =	simm.s32 $0xE;
	[sflag:s5] =	ssyncadd.s32 $0xFFFFE000  }
0x23: {  	_ =	swait.ge [sflag:s20], $0x2000  }
0x24: {  	[sflag:s20] =	ssyncset.done $0x0  }
0x25: {  	s22 =	simm.s32 $0xF;
	[sflag:s20] =	ssyncadd.s32 $0xFFFFE000  }
0x26: {  	_ =	swait.ge [sflag:s22], $0x2000  }
0x27: {  	[sflag:s22] =	ssyncset.done $0x0  }
0x28: {  	s13 =	simm.s32 $0x10;
	[sflag:s22] =	ssyncadd.s32 $0xFFFFE000  }
0x29: {  	_ =	swait.ge [sflag:s13], $0x2000  }
0x2a: {  	s15 =	rddreg [dreg:$0x6]  }
0x2b: {  	s23 =	rddreg [dreg:$0x5];
	s15 =	sadd.s32 $0x1, s15  }
0x2c: {  	p0 =	sne.s32 s15, s23  }
.Ltmp1:
0x2d: {  	_ = 	snop;
	(pc) =	sbr.rel @!p0 .LBB2_5-.Ltmp1, $3  }
0x2e: {  	_ =	sdelay $0x1  }
0x2f: {  	[sflag:s13] =	ssyncset.done $0x0  }
0x30: {  	[sflag:s13] =	ssyncadd.s32 $0xFFFFE000  }
.LBB2_1:
0x31: {  	[dreg:$0x6] =	wrdreg s15  }
0x32: {  	s6 =	rddreg [dreg:$0x4];
	s15 =	simm.s32 $0x11  }
0x33: {  	[tilespmem:s4], [sflag:$0x11] =	stream.linear.gather [hbm4b:s6+s4], $0xC800, $0x38;
	[tilespmem:$0x1C800] =	vst v63  }
0x34: {  	_ =	swait.ge [sflag:s15], $0xC800  }
0x35: {  	[sflag:s15] =	ssyncset.done $0x0  }
0x36: {  	s16 =	simm.s32 $0xC800;
	[sflag:s15] =	ssyncadd.s32 $0xFFFF3800  }
0x37: {  	[tilespmem:s16], [sflag:$0x1] =	stream.indirect.gather [hbm4b:s1+s14], $0x80, s4, s14, $0xb8;
	[tilespmem:$0x1C800] =	vst v63  }
0x38: {  	s17 =	simm.s32 $0x80;
	s13 =	simm.s32 $0xE800  }
0x39: {  	[tilespmem:s13], [sflag:$0x2] =	stream.indirect.gather [hbm4b:s1+s14], $0x80, s17, s14, $0xb8;
	[tilespmem:$0x1C800] =	vst v63  }
0x3a: {  	s18 =	simm.s32 $0x100  }
0x3b: {  	[tilespmem:s19], [sflag:$0x3] =	stream.indirect.gather [hbm4b:s1+s14], $0x80, s18, s14, $0xb8;
	[tilespmem:$0x1C800] =	vst v63  }
0x3c: {  	s20 =	simm.s32 $0x180  }
0x3d: {  	[tilespmem:s21], [sflag:$0x4] =	stream.indirect.gather [hbm4b:s1+s14], $0x80, s20, s14, $0xb8;
	[tilespmem:$0x1C800] =	vst v63  }
0x3e: {  	s22 =	simm.s32 $0x200;
	s23 =	simm.s32 $0x14800  }
0x3f: {  	[tilespmem:s23], [sflag:$0x5] =	stream.indirect.gather [hbm4b:s1+s14], $0x80, s22, s14, $0xb8;
	[tilespmem:$0x1C800] =	vst v63  }
0x40: {  	s6 =	simm.s32 $0x0;
	s20 =	simm.s32 $0xFFFFFFF8;
	s22 =	rddreg [dreg:$0x2]  }
.LBB2_2:
0x41: {  	_ =	swait.ge [sflag:s24], $0x2000  }
0x42: {  	s13 =	sadd.s32 s22, s8;
	p0 =	sgt.u32 s20, $0x187;
	[sflag:s24] =	ssyncset.done $0x0  }
0x43: {  	s15 =	simm.s32 $0xC800;
	s16 =	simm.s32 @!p0 $0xE;
	[sflag:s24] =	ssyncadd.s32 $0xFFFFE000  }
0x44: {  	[hbm4b:s13+s4] =	stream.linear.scatter [tilespmem:s15], [sflag:$0x9], $0x2000, $0x38;
	[tilespmem:$0x1C800] =	vst v63  }
0x45: {  	_ =	swait.ge @!p0 [sflag:s16], $0x2000  }
0x46: {  	s13 =	sshra.s32 s6, $0x2;
	[sflag:s16] =	ssyncset.done @!p0 $0x0  }
0x47: {  	s15 =	sadd.s32 $0x280, s13;
	[sflag:s16] =	ssyncadd.s32 @!p0 $0xFFFFE000  }
0x48: {  	[tilespmem:s25], [sflag:$0x6] =	stream.indirect.gather [hbm4b:s1+s14], $0x80, s15, s14, $0xb8;
	[tilespmem:$0x1C800] =	vst v63  }
0x49: {  	_ =	swait.ge [sflag:s26], $0x2000  }
0x4a: {  	s16 =	sadd.s32 s22, s9;
	[sflag:s26] =	ssyncset.done $0x0  }
0x4b: {  	s17 =	simm.s32 $0xE800;
	s18 =	sadd.s32 $0x400, s16;
	[sflag:s26] =	ssyncadd.s32 $0xFFFFE000  }
0x4c: {  	[hbm4b:s18+s4] =	stream.linear.scatter [tilespmem:s17], [sflag:$0xA], $0x2000, $0x38;
	[tilespmem:$0x1C800] =	vst v63  }
0x4d: {  	s18 =	simm.s32 @!p0 $0xF  }
0x4e: {  	_ =	swait.ge @!p0 [sflag:s18], $0x2000  }
0x4f: {  	[sflag:s18] =	ssyncset.done @!p0 $0x0  }
0x50: {  	s23 =	sadd.s32 $0x300, s13;
	[sflag:s18] =	ssyncadd.s32 @!p0 $0xFFFFE000  }
0x51: {  	[tilespmem:s28], [sflag:$0x7] =	stream.indirect.gather [hbm4b:s1+s14], $0x80, s23, s14, $0xb8;
	[tilespmem:$0x1C800] =	vst v63  }
0x52: {  	_ =	swait.ge [sflag:s29], $0x2000  }
0x53: {  	p0 =	seq.s32 s6, $0x0;
	[sflag:s29] =	ssyncset.done $0x0  }
0x54: {  	s15 =	sadd.s32 $0x800, s16;
	s18 =	simm.s32 @!p0 $0x10;
	[sflag:s29] =	ssyncadd.s32 $0xFFFFE000  }
0x55: {  	[hbm4b:s15+s4] =	stream.linear.scatter [tilespmem:s19], [sflag:$0xB], $0x2000, $0x38;
	[tilespmem:$0x1C800] =	vst v63  }
0x56: {  	_ =	swait.ge @!p0 [sflag:s18], $0x2000  }
0x57: {  	[sflag:s18] =	ssyncset.done @!p0 $0x0  }
0x58: {  	s17 =	sadd.s32 $0x380, s13;
	[sflag:s18] =	ssyncadd.s32 @!p0 $0xFFFFE000  }
0x59: {  	[tilespmem:s30], [sflag:$0x8] =	stream.indirect.gather [hbm4b:s1+s14], $0x80, s17, s14, $0xb8;
	[tilespmem:$0x1C800] =	vst v63  }
0x5a: {  	_ =	swait.ge [sflag:s31], $0x2000  }
0x5b: {  	[sflag:s31] =	ssyncset.done $0x0  }
0x5c: {  	s16 =	sadd.s32 $0xC00, s16;
	p0 =	seq.s32 s6, $0x31000;
	[sflag:s31] =	ssyncadd.s32 $0xFFFFE000  }
0x5d: {  	[hbm4b:s16+s4] =	stream.linear.scatter [tilespmem:s21], [sflag:$0xC], $0x2000, $0x38;
	[tilespmem:$0x1C800] =	vst v63  }
0x5e: {  	s16 =	simm.s32 @p0 $0x5  }
0x5f: {  	_ =	swait.ge @p0 [sflag:s16], $0x2000  }
0x60: {  	[sflag:s16] =	ssyncset.done @p0 $0x0  }
0x61: {  	s18 =	simm.s32 @p0 $0x14800;
	[sflag:s16] =	ssyncadd.s32 @p0 $0xFFFFE000;
	s16 =	simm.s32 @p0 $0x0  }
0x62: {  	[hbm4b:s7+s16] =	stream.linear.scatter @p0 [tilespmem:s18], [sflag:$0xD], $0x2000, $0x38;
	[tilespmem:$0x1C800] =	vst v63  }
0x63: {  	s16 =	simm.s32 @!p0 $0x9  }
0x64: {  	_ =	swait.ge @!p0 [sflag:s16], $0x2000  }
0x65: {  	[sflag:s16] =	ssyncset.done @!p0 $0x0  }
0x66: {  	[sflag:s16] =	ssyncadd.s32 @!p0 $0xFFFFE000;
	s16 =	sshra.s32 @!p0 s6, $0x2  }
0x67: {  	s15 =	simm.s32 @!p0 $0x40;
	s23 =	simm.s32 @!p0 $0xC800;
	s18 =	sadd.s32 @!p0 $0x400, s16  }
0x68: {  	[tilespmem:s23], [sflag:$0x1] =	stream.indirect.gather @!p0 [hbm4b:s1+s15], $0x80, s18, s15, $0xb8;
	[tilespmem:$0x1C800] =	vst v63  }
0x69: {  	s18 =	simm.s32 @!p0 $0x5  }
0x6a: {  	_ =	swait.ge @!p0 [sflag:s18], $0x2000  }
0x6b: {  	[sflag:s18] =	ssyncset.done @!p0 $0x0  }
0x6c: {  	[sflag:s18] =	ssyncadd.s32 @!p0 $0xFFFFE000;
	s18 =	sadd.s32 @!p0 s22, s9  }
0x6d: {  	s17 =	simm.s32 @!p0 $0x14800;
	s23 =	simm.s32 @!p0 $0x0;
	s18 =	sadd.s32 @!p0 $0x1000, s18  }
0x6e: {  	[hbm4b:s18+s23] =	stream.linear.scatter @!p0 [tilespmem:s17], [sflag:$0xD], $0x2000, $0x38;
	[tilespmem:$0x1C800] =	vst v63  }
0x6f: {  	s17 =	simm.s32 @!p0 $0xA  }
0x70: {  	_ =	swait.ge @!p0 [sflag:s17], $0x2000  }
0x71: {  	[sflag:s17] =	ssyncset.done @!p0 $0x0  }
0x72: {  	s18 =	simm.s32 @!p0 $0xE800;
	[sflag:s17] =	ssyncadd.s32 @!p0 $0xFFFFE000;
	s17 =	sadd.s32 @!p0 $0x480, s16  }
0x73: {  	[tilespmem:s18], [sflag:$0x2] =	stream.indirect.gather @!p0 [hbm4b:s1+s15], $0x80, s17, s15, $0xb8;
	[tilespmem:$0x1C800] =	vst v63  }
0x74: {  	_ =	swait.ge [sflag:s2], $0x2000  }
0x75: {  	[sflag:s2] =	ssyncset.done $0x0  }
0x76: {  	s23 =	sadd.s32 s22, s12;
	s17 =	simm.s32 @!p0 $0xB;
	[sflag:s2] =	ssyncadd.s32 $0xFFFFE000  }
0x77: {  	[hbm4b:s23+s4] =	stream.linear.scatter [tilespmem:s25], [sflag:$0xE], $0x2000, $0x38;
	[tilespmem:$0x1C800] =	vst v63  }
0x78: {  	_ =	swait.ge @!p0 [sflag:s17], $0x2000  }
0x79: {  	[sflag:s17] =	ssyncset.done @!p0 $0x0  }
0x7a: {  	s18 =	simm.s32 @!p0 $0x10800;
	[sflag:s17] =	ssyncadd.s32 @!p0 $0xFFFFE000;
	s17 =	sadd.s32 @!p0 $0x500, s16  }
0x7b: {  	[tilespmem:s18], [sflag:$0x3] =	stream.indirect.gather @!p0 [hbm4b:s1+s15], $0x80, s17, s15, $0xb8;
	[tilespmem:$0x1C800] =	vst v63  }
0x7c: {  	_ =	swait.ge [sflag:s0], $0x2000  }
0x7d: {  	[sflag:s0] =	ssyncset.done $0x0  }
0x7e: {  	s18 =	sadd.s32 s22, s11;
	s17 =	simm.s32 @!p0 $0xC;
	[sflag:s0] =	ssyncadd.s32 $0xFFFFE000  }
0x7f: {  	[hbm4b:s18+s4] =	stream.linear.scatter [tilespmem:s28], [sflag:$0xF], $0x2000, $0x38;
	[tilespmem:$0x1C800] =	vst v63  }
0x80: {  	_ =	swait.ge @!p0 [sflag:s17], $0x2000  }
0x81: {  	[sflag:s17] =	ssyncset.done @!p0 $0x0  }
0x82: {  	s16 =	sadd.s32 @!p0 $0x580, s16;
	[sflag:s17] =	ssyncadd.s32 @!p0 $0xFFFFE000;
	s17 =	simm.s32 @!p0 $0x12800  }
0x83: {  	[tilespmem:s17], [sflag:$0x4] =	stream.indirect.gather @!p0 [hbm4b:s1+s15], $0x80, s16, s15, $0xb8;
	[tilespmem:$0x1C800] =	vst v63  }
.Ltmp2:
0x84: {  	_ = 	snop;
	(pc) =	sbr.rel @p0 .LBB2_4-.Ltmp2, $4  }
0x85: {  	_ =	swait.ge [sflag:s3], $0x2000  }
0x86: {  	[sflag:s3] =	ssyncset.done $0x0  }
0x87: {  	s23 =	sadd.s32 s22, s10;
	[sflag:s3] =	ssyncadd.s32 $0xFFFFE000  }
0x88: {  	[hbm4b:s23+s4] =	stream.linear.scatter [tilespmem:s30], [sflag:$0x10], $0x2000, $0x38;
	[tilespmem:$0x1C800] =	vst v63  }
.Ltmp3:
0x89: {  	(pc) =	sbr.rel .LBB2_2-.Ltmp3, $4  }
0x8a: {  	_ =	swait.ge [sflag:s5], $0x2000;
	s13 =	sadd.s32 $0x600, s13  }
0x8b: {  	s15 =	simm.s32 $0x14800;
	s6 =	sadd.s32 $0x1000, s6;
	[sflag:s5] =	ssyncset.done $0x0  }
0x8c: {  	s22 =	sadd.s32 $0x2000, s22;
	s20 =	sadd.s32 $0x8, s20;
	[sflag:s5] =	ssyncadd.s32 $0xFFFFE000  }
0x8d: {  	[tilespmem:s15], [sflag:$0x5] =	stream.indirect.gather [hbm4b:s1+s14], $0x80, s13, s14, $0xb8;
	[tilespmem:$0x1C800] =	vst v63  }
.LBB2_5:
0x8e: {  	_ =	sfence.sel $0x180000  }
0x8f: {  	[bflag:$0x0] =	sbarrier.arrive $0xFFFF  }
0x90: {  	_ =	strace $0x90000047  }
0x91: {  	s0 =	stileid.u32;
	[bflag:$0x2] =	sbarrier.arrive $0xFFFF  }
0x92: {  	p0 =	sne.s32 s0, $0x0;
	s0 =	rddreg [dreg:$0x3]  }
0x93: {  	s0 =	sadd.s32 @!p0 $0x100000, s0  }
0x94: {  	[sflag:s0] =	ssyncadd.tile.s32 @!p0 $0x1;
	_ =	shalt  }
.Lfunc_end2:
_tile_overlayer_lowered:
.L_overlay_start_2:
0x95: {  	(tag) =	ssettag $0x2  }
0x96: {  	s0 =	rddreg [dreg:$0x0];
	s2 =	stileid.u32  }
0x97: {  	s1 =	rddreg [dreg:$0x1];
	p0 =	sne.s32 s2, $0x0  }
0x98: {  	s3 =	rddreg [dreg:$0x2];
	[bflag:$0x3] =	sbarrier.arrive $0xFFFF;
	s2 =	simm.s32 @!p0 $0x1C11  }
0x99: {  	[timem:s3], [sflag:s2] =	dma.local @!p0 [hbm:s0], s1  }
0x9a: {  	s0 =	simm.s32 @!p0 $0x11  }
0x9b: {  	_ =	swait.ge @!p0 [sflag:s0], s1  }
0x9c: {  	s1 =	ssub.s32 @!p0 $0x0, s1;
	[sflag:s0] =	ssyncset.done @!p0 $0x0  }
0x9d: {  	[sflag:s0] =	ssyncadd.s32 @!p0 s1  }
0x9e: {  	[bflag:$0x3] =	sbarrier.arrive $0xFFFF  }
0x9f: {  	_ =	shalt  }

</sc_bundles>
